<compile_context>
chip_gen: v7x
topology: tpu7x:2x2x1
jax: 0.10.2.dev20260603
libtpu: 0.0.44.dev20260713+nightly
codegen_flags: <defaults>
</compile_context>

<pallas_src>
import jax
import jax.numpy as jnp
from jax import lax
from jax.experimental import pallas as pl
from jax.experimental.pallas import tpu as pltpu
from jax.experimental.pallas import tpu_sc as plsc

D = 64
VOCAB = 1000000
NC = 2
NS = 16
NW = NC * NS
SCALE = 8.0
LANES = 16
DP = 128
CHUNK = 200
NBUF = 4


def _body(idx_hbm, table_hbm, out_hbm, *scratch):
    idx_v = scratch[:NBUF]
    rows_v = scratch[NBUF:2 * NBUF]
    gsem, ssem = scratch[2 * NBUF], scratch[2 * NBUF + 1]

    wid = lax.axis_index("s") * NC + lax.axis_index("c")
    n_total = idx_hbm.shape[0]
    per_w = n_total // NW
    iters = per_w // CHUNK
    base_w = wid * per_w

    def load_idx(it, slot):
        pltpu.sync_copy(idx_hbm.at[pl.ds(base_w + it * CHUNK, CHUNK)],
                        idx_v[slot])

    def start_gather(slot):
        pltpu.async_copy(table_hbm.at[idx_v[slot]], rows_v[slot],
                         gsem.at[slot])

    def wait_gather(slot):
        pltpu.make_async_copy(table_hbm.at[idx_v[slot]], rows_v[slot],
                              gsem.at[slot]).wait()

    def start_store(it, slot):
        pltpu.async_copy(rows_v[slot],
                         out_hbm.at[pl.ds(base_w + it * CHUNK, CHUNK)],
                         ssem.at[slot])

    def wait_store(slot):
        pltpu.make_async_copy(rows_v[slot],
                              out_hbm.at[pl.ds(base_w, CHUNK)],
                              ssem.at[slot]).wait()

    for b in range(NBUF - 1):
        load_idx(b, b)
        start_gather(b)

    @pl.loop(0, iters, step=NBUF)
    def _ring(g):
        for b in range(NBUF):
            cur = g + b
            slot = (b + NBUF - 1) % NBUF
            pre = cur + NBUF - 1

            @pl.when(pre < iters)
            def _prefetch():
                load_idx(pre, slot)

                @pl.when(cur >= 1)
                def _drain():
                    wait_store(slot)

                start_gather(slot)

            wait_gather(b)

            @pl.loop(0, CHUNK, unroll=4)
            def _scale(r):
                for c in range(D // LANES):
                    sl = (r, pl.ds(c * LANES, LANES))
                    rows_v[b][sl] = rows_v[b][sl] * SCALE

            start_store(cur, b)

    for b in range(NBUF):
        wait_store(b)


def kernel(x, W):
    B, H = x.shape
    n = B * H
    xf = x.reshape(n).astype(jnp.int32)
    Wp = jnp.pad(W, ((0, 0), (0, DP - D)))
    mesh = plsc.VectorSubcoreMesh(core_axis_name="c", subcore_axis_name="s")
    scratch = (
        [pltpu.VMEM((CHUNK,), jnp.int32) for _ in range(NBUF)]
        + [pltpu.VMEM((CHUNK, DP), jnp.float32) for _ in range(NBUF)]
        + [pltpu.SemaphoreType.DMA((NBUF,)),
           pltpu.SemaphoreType.DMA((NBUF,))]
    )
    out = pl.kernel(
        _body,
        out_type=jax.ShapeDtypeStruct((n, DP), jnp.float32),
        mesh=mesh,
        scratch_types=scratch,
        compiler_params=pltpu.CompilerParams(use_tc_tiling_on_sc=True),
    )(xf, Wp)
    return out[:, :D].reshape(B, H, D)

# --- scband reference (transcript-rebuilt; emitter-appended) ---
"""Pipeline reference for scband-input-embeddings-84078279787133 (READ-ONLY COPY).

The authoritative reference and input builder live on the scoring server;
editing this copy changes nothing except your own understanding.
"""

import jax, jax.numpy as jnp
import numpy as np
import math

VOCAB = 1000000
EMBED_DIM = 64
BATCH = 4096
HIST = 200

def setup_inputs(seed: int = 0) -> dict:
    key = jax.random.key(seed)
    k_idx, k_w = jax.random.split(key)
    x = jax.random.randint(k_idx, (BATCH, HIST), 0, VOCAB, dtype=jnp.int64 if jax.config.read('jax_enable_x64') else jnp.int32)
    W = jax.random.normal(k_w, (VOCAB, EMBED_DIM), dtype=jnp.float32)
    return {"x": x, "W": W}

def reference(x, W):
    # InputEmbeddings.forward: embed(x) * sqrt(embedding_dim)
    emb = jnp.take(W, x, axis=0)
    return emb * math.sqrt(EMBED_DIM)

if __name__ == "__main__":
    import jax
    _d = setup_inputs()
    print(jax.jit(kernel)(*tuple(_d.values())))

</pallas_src>

<mosaic_0001>
#map = affine_map<(d0, d1) -> (0)>
#map1 = affine_map<(d0, d1) -> (0, 0)>
module attributes {stable_mosaic.version = 14 : i64} {
  func.func @_body(%arg0: i32, %arg1: i32, %arg2: memref<819200xi32, #tpu.memory_space<hbm>>, %arg3: memref<1000000x128xf32, #tpu.memory_space<hbm>>, %arg4: memref<819200x128xf32, #tpu.memory_space<hbm>>, %arg5: memref<200xi32, #tpu.memory_space<vmem>>, %arg6: memref<200xi32, #tpu.memory_space<vmem>>, %arg7: memref<200xi32, #tpu.memory_space<vmem>>, %arg8: memref<200xi32, #tpu.memory_space<vmem>>, %arg9: memref<200x128xf32, #tpu.memory_space<vmem>>, %arg10: memref<200x128xf32, #tpu.memory_space<vmem>>, %arg11: memref<200x128xf32, #tpu.memory_space<vmem>>, %arg12: memref<200x128xf32, #tpu.memory_space<vmem>>, %arg13: memref<4x!tpu.dma_semaphore, #tpu.memory_space<semaphore_mem>>, %arg14: memref<4x!tpu.dma_semaphore, #tpu.memory_space<semaphore_mem>>) attributes {dimension_semantics = [#tpu.dimension_semantics<core_parallel>, #tpu.dimension_semantics<subcore_parallel>], iteration_bounds = array<i64: 2, 16>, scalar_prefetch = 0 : i64, scratch_operands = 10 : i64, tpu.core_type = #tpu.core_type<sc_vector_subcore>, window_params = [{transform_indices = #map}, {transform_indices = #map1}, {transform_indices = #map1}]} {
    %mul3A = arith.constant 2 : i32
    %mul3A_0 = arith.muli %arg1, %mul3A : i32
    %add3A = arith.addi %mul3A_0, %arg0 : i32
    %mul3A_1 = arith.constant 25600 : i32
    %mul3A_2 = arith.muli %add3A, %mul3A_1 : i32
    %add3A_3 = arith.constant 0 : i32
    %add3A_4 = arith.addi %mul3A_2, %add3A_3 : i32
    "tpu.region"() ({
      %run_scoped3A = tpu.sem_alloc : memref<!tpu.dma_semaphore, #tpu.memory_space<semaphore_mem>>
      %dma_start3A_57 = tpu.memref_slice %arg2[%add3A_4] : memref<819200xi32, #tpu.memory_space<hbm>> -> memref<200xi32, #tpu.memory_space<hbm>>
      %dma_start3A_58 = tpu.memref_slice %arg2[%add3A_4] : memref<819200xi32, #tpu.memory_space<hbm>> -> memref<200xi32, #tpu.memory_space<hbm>>
      tpu.enqueue_dma source(%dma_start3A_58 : memref<200xi32, #tpu.memory_space<hbm>>) target(%arg5 : memref<200xi32, #tpu.memory_space<vmem>>) target_semaphore(%run_scoped3A : memref<!tpu.dma_semaphore, #tpu.memory_space<semaphore_mem>>)
      %dma_wait3A_59 = tpu.memref_slice %arg2[%add3A_4] : memref<819200xi32, #tpu.memory_space<hbm>> -> memref<200xi32, #tpu.memory_space<hbm>>
      %dma_wait3A_60 = tpu.memref_slice %arg2[%add3A_4] : memref<819200xi32, #tpu.memory_space<hbm>> -> memref<200xi32, #tpu.memory_space<hbm>>
      tpu.wait_dma2 semaphore(%run_scoped3A : memref<!tpu.dma_semaphore, #tpu.memory_space<semaphore_mem>>) src(%dma_wait3A_60 : memref<200xi32, #tpu.memory_space<hbm>>) dst(%arg5 : memref<200xi32, #tpu.memory_space<vmem>>)
      tpu.yield
    }) : () -> ()
    %dma_start3A = arith.constant 0 : i32
    %dma_start3A_5 = arith.constant 0 : i32
    %dma_start3A_6 = arith.constant 0 : i32
    %dma_start3A_7 = tpu.memref_slice %arg3[%dma_start3A_5, %dma_start3A_6] : memref<1000000x128xf32, #tpu.memory_space<hbm>> -> memref<1000000x128xf32, #tpu.memory_space<hbm>>
    %dma_start3A_8 = tpu.memref_slice %arg13[%dma_start3A] : memref<4x!tpu.dma_semaphore, #tpu.memory_space<semaphore_mem>> -> memref<1x!tpu.dma_semaphore, #tpu.memory_space<semaphore_mem>>
    %dma_start3A_9 = tpu.memref_squeeze %dma_start3A_8 : memref<1x!tpu.dma_semaphore, #tpu.memory_space<semaphore_mem>> -> memref<!tpu.dma_semaphore, #tpu.memory_space<semaphore_mem>>
    tpu.enqueue_indirect_dma source(%dma_start3A_7 : memref<1000000x128xf32, #tpu.memory_space<hbm>>) target(%arg9 : memref<200x128xf32, #tpu.memory_space<vmem>>) offsets(%arg5 : memref<200xi32, #tpu.memory_space<vmem>>) semaphore(%dma_start3A_9 : memref<!tpu.dma_semaphore, #tpu.memory_space<semaphore_mem>>)
    %add3A_10 = arith.constant 200 : i32
    %add3A_11 = arith.addi %mul3A_2, %add3A_10 : i32
    "tpu.region"() ({
      %run_scoped3A = tpu.sem_alloc : memref<!tpu.dma_semaphore, #tpu.memory_space<semaphore_mem>>
      %dma_start3A_57 = tpu.memref_slice %arg2[%add3A_11] : memref<819200xi32, #tpu.memory_space<hbm>> -> memref<200xi32, #tpu.memory_space<hbm>>
      %dma_start3A_58 = tpu.memref_slice %arg2[%add3A_11] : memref<819200xi32, #tpu.memory_space<hbm>> -> memref<200xi32, #tpu.memory_space<hbm>>
      tpu.enqueue_dma source(%dma_start3A_58 : memref<200xi32, #tpu.memory_space<hbm>>) target(%arg6 : memref<200xi32, #tpu.memory_space<vmem>>) target_semaphore(%run_scoped3A : memref<!tpu.dma_semaphore, #tpu.memory_space<semaphore_mem>>)
      %dma_wait3A_59 = tpu.memref_slice %arg2[%add3A_11] : memref<819200xi32, #tpu.memory_space<hbm>> -> memref<200xi32, #tpu.memory_space<hbm>>
      %dma_wait3A_60 = tpu.memref_slice %arg2[%add3A_11] : memref<819200xi32, #tpu.memory_space<hbm>> -> memref<200xi32, #tpu.memory_space<hbm>>
      tpu.wait_dma2 semaphore(%run_scoped3A : memref<!tpu.dma_semaphore, #tpu.memory_space<semaphore_mem>>) src(%dma_wait3A_60 : memref<200xi32, #tpu.memory_space<hbm>>) dst(%arg6 : memref<200xi32, #tpu.memory_space<vmem>>)
      tpu.yield
    }) : () -> ()
    %dma_start3A_12 = arith.constant 1 : i32
    %dma_start3A_13 = arith.constant 0 : i32
    %dma_start3A_14 = arith.constant 0 : i32
    %dma_start3A_15 = tpu.memref_slice %arg3[%dma_start3A_13, %dma_start3A_14] : memref<1000000x128xf32, #tpu.memory_space<hbm>> -> memref<1000000x128xf32, #tpu.memory_space<hbm>>
    %dma_start3A_16 = tpu.memref_slice %arg13[%dma_start3A_12] : memref<4x!tpu.dma_semaphore, #tpu.memory_space<semaphore_mem>> -> memref<1x!tpu.dma_semaphore, #tpu.memory_space<semaphore_mem>>
    %dma_start3A_17 = tpu.memref_squeeze %dma_start3A_16 : memref<1x!tpu.dma_semaphore, #tpu.memory_space<semaphore_mem>> -> memref<!tpu.dma_semaphore, #tpu.memory_space<semaphore_mem>>
    tpu.enqueue_indirect_dma source(%dma_start3A_15 : memref<1000000x128xf32, #tpu.memory_space<hbm>>) target(%arg10 : memref<200x128xf32, #tpu.memory_space<vmem>>) offsets(%arg6 : memref<200xi32, #tpu.memory_space<vmem>>) semaphore(%dma_start3A_17 : memref<!tpu.dma_semaphore, #tpu.memory_space<semaphore_mem>>)
    %add3A_18 = arith.constant 400 : i32
    %add3A_19 = arith.addi %mul3A_2, %add3A_18 : i32
    "tpu.region"() ({
      %run_scoped3A = tpu.sem_alloc : memref<!tpu.dma_semaphore, #tpu.memory_space<semaphore_mem>>
      %dma_start3A_57 = tpu.memref_slice %arg2[%add3A_19] : memref<819200xi32, #tpu.memory_space<hbm>> -> memref<200xi32, #tpu.memory_space<hbm>>
      %dma_start3A_58 = tpu.memref_slice %arg2[%add3A_19] : memref<819200xi32, #tpu.memory_space<hbm>> -> memref<200xi32, #tpu.memory_space<hbm>>
      tpu.enqueue_dma source(%dma_start3A_58 : memref<200xi32, #tpu.memory_space<hbm>>) target(%arg7 : memref<200xi32, #tpu.memory_space<vmem>>) target_semaphore(%run_scoped3A : memref<!tpu.dma_semaphore, #tpu.memory_space<semaphore_mem>>)
      %dma_wait3A_59 = tpu.memref_slice %arg2[%add3A_19] : memref<819200xi32, #tpu.memory_space<hbm>> -> memref<200xi32, #tpu.memory_space<hbm>>
      %dma_wait3A_60 = tpu.memref_slice %arg2[%add3A_19] : memref<819200xi32, #tpu.memory_space<hbm>> -> memref<200xi32, #tpu.memory_space<hbm>>
      tpu.wait_dma2 semaphore(%run_scoped3A : memref<!tpu.dma_semaphore, #tpu.memory_space<semaphore_mem>>) src(%dma_wait3A_60 : memref<200xi32, #tpu.memory_space<hbm>>) dst(%arg7 : memref<200xi32, #tpu.memory_space<vmem>>)
      tpu.yield
    }) : () -> ()
    %dma_start3A_20 = arith.constant 2 : i32
    %dma_start3A_21 = arith.constant 0 : i32
    %dma_start3A_22 = arith.constant 0 : i32
    %dma_start3A_23 = tpu.memref_slice %arg3[%dma_start3A_21, %dma_start3A_22] : memref<1000000x128xf32, #tpu.memory_space<hbm>> -> memref<1000000x128xf32, #tpu.memory_space<hbm>>
    %dma_start3A_24 = tpu.memref_slice %arg13[%dma_start3A_20] : memref<4x!tpu.dma_semaphore, #tpu.memory_space<semaphore_mem>> -> memref<1x!tpu.dma_semaphore, #tpu.memory_space<semaphore_mem>>
    %dma_start3A_25 = tpu.memref_squeeze %dma_start3A_24 : memref<1x!tpu.dma_semaphore, #tpu.memory_space<semaphore_mem>> -> memref<!tpu.dma_semaphore, #tpu.memory_space<semaphore_mem>>
    tpu.enqueue_indirect_dma source(%dma_start3A_23 : memref<1000000x128xf32, #tpu.memory_space<hbm>>) target(%arg11 : memref<200x128xf32, #tpu.memory_space<vmem>>) offsets(%arg7 : memref<200xi32, #tpu.memory_space<vmem>>) semaphore(%dma_start3A_25 : memref<!tpu.dma_semaphore, #tpu.memory_space<semaphore_mem>>)
    %scan3A = arith.constant 0 : i32
    %scan3A_26 = arith.constant 32 : i32
    %scan3A_27 = arith.addi %scan3A, %scan3A_26 : i32
    %scan3A_28 = arith.constant 1 : i32
    scf.for %scan3A_57 = %scan3A to %scan3A_27 step %scan3A_28  : i32 {
      %mul3A_58 = arith.constant 4 : i32
      %mul3A_59 = arith.muli %scan3A_57, %mul3A_58 : i32
      %add3A_60 = arith.constant 0 : i32
      %add3A_61 = arith.addi %add3A_60, %mul3A_59 : i32
      %add3A_62 = arith.constant 0 : i32
      %add3A_63 = arith.addi %add3A_61, %add3A_62 : i32
      %add3A_64 = arith.constant 4 : i32
      %add3A_65 = arith.addi %add3A_63, %add3A_64 : i32
      %sub3A = arith.constant 1 : i32
      %sub3A_66 = arith.subi %add3A_65, %sub3A : i32
      %lt3A = arith.constant 128 : i32
      %lt3A_67 = arith.cmpi slt, %sub3A_66, %lt3A : i32
      %convert_element_type3A = arith.extui %lt3A_67 : i1 to i32
      %cond3A = arith.constant 0 : i32
      %cond3A_68 = arith.cmpi ne, %convert_element_type3A, %cond3A : i32
      scf.if %cond3A_68 {
        %mul3A_186 = arith.constant 200 : i32
        %mul3A_187 = arith.muli %sub3A_66, %mul3A_186 : i32
        %add3A_188 = arith.addi %mul3A_2, %mul3A_187 : i32
        "tpu.region"() ({
          %run_scoped3A = tpu.sem_alloc : memref<!tpu.dma_semaphore, #tpu.memory_space<semaphore_mem>>
          %dma_start3A_199 = tpu.memref_slice %arg2[%add3A_188] : memref<819200xi32, #tpu.memory_space<hbm>> -> memref<200xi32, #tpu.memory_space<hbm>>
          %dma_start3A_200 = tpu.memref_slice %arg2[%add3A_188] : memref<819200xi32, #tpu.memory_space<hbm>> -> memref<200xi32, #tpu.memory_space<hbm>>
          tpu.enqueue_dma source(%dma_start3A_200 : memref<200xi32, #tpu.memory_space<hbm>>) target(%arg8 : memref<200xi32, #tpu.memory_space<vmem>>) target_semaphore(%run_scoped3A : memref<!tpu.dma_semaphore, #tpu.memory_space<semaphore_mem>>)
          %dma_wait3A_201 = tpu.memref_slice %arg2[%add3A_188] : memref<819200xi32, #tpu.memory_space<hbm>> -> memref<200xi32, #tpu.memory_space<hbm>>
          %dma_wait3A_202 = tpu.memref_slice %arg2[%add3A_188] : memref<819200xi32, #tpu.memory_space<hbm>> -> memref<200xi32, #tpu.memory_space<hbm>>
          tpu.wait_dma2 semaphore(%run_scoped3A : memref<!tpu.dma_semaphore, #tpu.memory_space<semaphore_mem>>) src(%dma_wait3A_202 : memref<200xi32, #tpu.memory_space<hbm>>) dst(%arg8 : memref<200xi32, #tpu.memory_space<vmem>>)
          tpu.yield
        }) : () -> ()
        %ge3A = arith.constant 1 : i32
        %ge3A_189 = arith.cmpi sge, %add3A_63, %ge3A : i32
        %convert_element_type3A_190 = arith.extui %ge3A_189 : i1 to i32
        %cond3A_191 = arith.constant 0 : i32
        %cond3A_192 = arith.cmpi ne, %convert_element_type3A_190, %cond3A_191 : i32
        scf.if %cond3A_192 {
          %dma_wait3A_199 = arith.constant 3 : i32
          %dma_wait3A_200 = arith.constant 0 : i32
          %dma_wait3A_201 = tpu.memref_slice %arg4[%mul3A_2, %dma_wait3A_200] : memref<819200x128xf32, #tpu.memory_space<hbm>> -> memref<200x128xf32, #tpu.memory_space<hbm>>
          %dma_wait3A_202 = tpu.memref_slice %arg14[%dma_wait3A_199] : memref<4x!tpu.dma_semaphore, #tpu.memory_space<semaphore_mem>> -> memref<1x!tpu.dma_semaphore, #tpu.memory_space<semaphore_mem>>
          %dma_wait3A_203 = tpu.memref_squeeze %dma_wait3A_202 : memref<1x!tpu.dma_semaphore, #tpu.memory_space<semaphore_mem>> -> memref<!tpu.dma_semaphore, #tpu.memory_space<semaphore_mem>>
          %dma_wait3A_204 = arith.constant 0 : i32
          %dma_wait3A_205 = tpu.memref_slice %arg4[%mul3A_2, %dma_wait3A_204] : memref<819200x128xf32, #tpu.memory_space<hbm>> -> memref<200x128xf32, #tpu.memory_space<hbm>>
          tpu.wait_dma2 semaphore(%dma_wait3A_203 : memref<!tpu.dma_semaphore, #tpu.memory_space<semaphore_mem>>) src(%arg12 : memref<200x128xf32, #tpu.memory_space<vmem>>) dst(%dma_wait3A_205 : memref<200x128xf32, #tpu.memory_space<hbm>>)
        } else {
        }
        %dma_start3A_193 = arith.constant 3 : i32
        %dma_start3A_194 = arith.constant 0 : i32
        %dma_start3A_195 = arith.constant 0 : i32
        %dma_start3A_196 = tpu.memref_slice %arg3[%dma_start3A_194, %dma_start3A_195] : memref<1000000x128xf32, #tpu.memory_space<hbm>> -> memref<1000000x128xf32, #tpu.memory_space<hbm>>
        %dma_start3A_197 = tpu.memref_slice %arg13[%dma_start3A_193] : memref<4x!tpu.dma_semaphore, #tpu.memory_space<semaphore_mem>> -> memref<1x!tpu.dma_semaphore, #tpu.memory_space<semaphore_mem>>
        %dma_start3A_198 = tpu.memref_squeeze %dma_start3A_197 : memref<1x!tpu.dma_semaphore, #tpu.memory_space<semaphore_mem>> -> memref<!tpu.dma_semaphore, #tpu.memory_space<semaphore_mem>>
        tpu.enqueue_indirect_dma source(%dma_start3A_196 : memref<1000000x128xf32, #tpu.memory_space<hbm>>) target(%arg12 : memref<200x128xf32, #tpu.memory_space<vmem>>) offsets(%arg8 : memref<200xi32, #tpu.memory_space<vmem>>) semaphore(%dma_start3A_198 : memref<!tpu.dma_semaphore, #tpu.memory_space<semaphore_mem>>)
      } else {
      }
      %dma_wait3A_69 = arith.constant 0 : i32
      %dma_wait3A_70 = arith.constant 0 : i32
      %dma_wait3A_71 = arith.constant 0 : i32
      %dma_wait3A_72 = tpu.memref_slice %arg3[%dma_wait3A_70, %dma_wait3A_71] : memref<1000000x128xf32, #tpu.memory_space<hbm>> -> memref<1000000x128xf32, #tpu.memory_space<hbm>>
      %dma_wait3A_73 = tpu.memref_slice %arg13[%dma_wait3A_69] : memref<4x!tpu.dma_semaphore, #tpu.memory_space<semaphore_mem>> -> memref<1x!tpu.dma_semaphore, #tpu.memory_space<semaphore_mem>>
      %dma_wait3A_74 = tpu.memref_squeeze %dma_wait3A_73 : memref<1x!tpu.dma_semaphore, #tpu.memory_space<semaphore_mem>> -> memref<!tpu.dma_semaphore, #tpu.memory_space<semaphore_mem>>
      tpu.wait_indirect_dma semaphore(%dma_wait3A_74 : memref<!tpu.dma_semaphore, #tpu.memory_space<semaphore_mem>>) src(%dma_wait3A_72 : memref<1000000x128xf32, #tpu.memory_space<hbm>>) dst(%arg9 : memref<200x128xf32, #tpu.memory_space<vmem>>)
      %scan3A_75 = arith.constant 0 : i32
      %scan3A_76 = arith.constant 200 : i32
      %scan3A_77 = arith.addi %scan3A_75, %scan3A_76 : i32
      %scan3A_78 = arith.constant 4 : i32
      scf.for %scan3A_186 = %scan3A_75 to %scan3A_77 step %scan3A_78  : i32 {
        %mul3A_187 = arith.constant 1 : i32
        %mul3A_188 = arith.muli %scan3A_186, %mul3A_187 : i32
        %add3A_189 = arith.constant 0 : i32
        %add3A_190 = arith.addi %add3A_189, %mul3A_188 : i32
        %get3A = arith.index_cast %add3A_190 : i32 to index
        %get3A_191 = arith.constant 0 : index
        %get3A_192 = tpu.vector_load %arg9[%get3A, %get3A_191] {strides = array<i32>} : memref<200x128xf32, #tpu.memory_space<vmem>>, vector<1x16xf32>,
        %get3A_193 = vector.shape_cast %get3A_192 : vector<1x16xf32> to vector<16xf32>
        %mul3A_194 = arith.constant 8.000000e+00 : f32
        %mul3A_195 = vector.broadcast %mul3A_194 : f32 to vector<16xf32>
        %mul3A_196 = arith.mulf %get3A_193, %mul3A_195 : vector<16xf32>
        %swap3A = arith.index_cast %add3A_190 : i32 to index
        %swap3A_197 = arith.constant 0 : index
        %swap3A_198 = tpu.vector_load %arg9[%swap3A, %swap3A_197] {strides = array<i32>} : memref<200x128xf32, #tpu.memory_space<vmem>>, vector<1x16xf32>,
        %swap3A_199 = vector.shape_cast %swap3A_198 : vector<1x16xf32> to vector<16xf32>
        %swap3A_200 = vector.shape_cast %mul3A_196 : vector<16xf32> to vector<1x16xf32>
        tpu.vector_store %arg9[%swap3A, %swap3A_197], %swap3A_200 {strides = array<i32>} : memref<200x128xf32, #tpu.memory_space<vmem>>, vector<1x16xf32>,
        %get3A_201 = arith.index_cast %add3A_190 : i32 to index
        %get3A_202 = arith.constant 16 : index
        %get3A_203 = tpu.vector_load %arg9[%get3A_201, %get3A_202] {strides = array<i32>} : memref<200x128xf32, #tpu.memory_space<vmem>>, vector<1x16xf32>,
        %get3A_204 = vector.shape_cast %get3A_203 : vector<1x16xf32> to vector<16xf32>
        %mul3A_205 = arith.constant 8.000000e+00 : f32
        %mul3A_206 = vector.broadcast %mul3A_205 : f32 to vector<16xf32>
        %mul3A_207 = arith.mulf %get3A_204, %mul3A_206 : vector<16xf32>
        %swap3A_208 = arith.index_cast %add3A_190 : i32 to index
        %swap3A_209 = arith.constant 16 : index
        %swap3A_210 = tpu.vector_load %arg9[%swap3A_208, %swap3A_209] {strides = array<i32>} : memref<200x128xf32, #tpu.memory_space<vmem>>, vector<1x16xf32>,
        %swap3A_211 = vector.shape_cast %swap3A_210 : vector<1x16xf32> to vector<16xf32>
        %swap3A_212 = vector.shape_cast %mul3A_207 : vector<16xf32> to vector<1x16xf32>
        tpu.vector_store %arg9[%swap3A_208, %swap3A_209], %swap3A_212 {strides = array<i32>} : memref<200x128xf32, #tpu.memory_space<vmem>>, vector<1x16xf32>,
        %get3A_213 = arith.index_cast %add3A_190 : i32 to index
        %get3A_214 = arith.constant 32 : index
        %get3A_215 = tpu.vector_load %arg9[%get3A_213, %get3A_214] {strides = array<i32>} : memref<200x128xf32, #tpu.memory_space<vmem>>, vector<1x16xf32>,
        %get3A_216 = vector.shape_cast %get3A_215 : vector<1x16xf32> to vector<16xf32>
        %mul3A_217 = arith.constant 8.000000e+00 : f32
        %mul3A_218 = vector.broadcast %mul3A_217 : f32 to vector<16xf32>
        %mul3A_219 = arith.mulf %get3A_216, %mul3A_218 : vector<16xf32>
        %swap3A_220 = arith.index_cast %add3A_190 : i32 to index
        %swap3A_221 = arith.constant 32 : index
        %swap3A_222 = tpu.vector_load %arg9[%swap3A_220, %swap3A_221] {strides = array<i32>} : memref<200x128xf32, #tpu.memory_space<vmem>>, vector<1x16xf32>,
        %swap3A_223 = vector.shape_cast %swap3A_222 : vector<1x16xf32> to vector<16xf32>
        %swap3A_224 = vector.shape_cast %mul3A_219 : vector<16xf32> to vector<1x16xf32>
        tpu.vector_store %arg9[%swap3A_220, %swap3A_221], %swap3A_224 {strides = array<i32>} : memref<200x128xf32, #tpu.memory_space<vmem>>, vector<1x16xf32>,
        %get3A_225 = arith.index_cast %add3A_190 : i32 to index
        %get3A_226 = arith.constant 48 : index
        %get3A_227 = tpu.vector_load %arg9[%get3A_225, %get3A_226] {strides = array<i32>} : memref<200x128xf32, #tpu.memory_space<vmem>>, vector<1x16xf32>,
        %get3A_228 = vector.shape_cast %get3A_227 : vector<1x16xf32> to vector<16xf32>
        %mul3A_229 = arith.constant 8.000000e+00 : f32
        %mul3A_230 = vector.broadcast %mul3A_229 : f32 to vector<16xf32>
        %mul3A_231 = arith.mulf %get3A_228, %mul3A_230 : vector<16xf32>
        %swap3A_232 = arith.index_cast %add3A_190 : i32 to index
        %swap3A_233 = arith.constant 48 : index
        %swap3A_234 = tpu.vector_load %arg9[%swap3A_232, %swap3A_233] {strides = array<i32>} : memref<200x128xf32, #tpu.memory_space<vmem>>, vector<1x16xf32>,
        %swap3A_235 = vector.shape_cast %swap3A_234 : vector<1x16xf32> to vector<16xf32>
        %swap3A_236 = vector.shape_cast %mul3A_231 : vector<16xf32> to vector<1x16xf32>
        tpu.vector_store %arg9[%swap3A_232, %swap3A_233], %swap3A_236 {strides = array<i32>} : memref<200x128xf32, #tpu.memory_space<vmem>>, vector<1x16xf32>,
        %scan3A_237 = arith.constant 1 : i32
        %scan3A_238 = arith.addi %scan3A_186, %scan3A_237 : i32
        %mul3A_239 = arith.constant 1 : i32
        %mul3A_240 = arith.muli %scan3A_238, %mul3A_239 : i32
        %add3A_241 = arith.constant 0 : i32
        %add3A_242 = arith.addi %add3A_241, %mul3A_240 : i32
        %get3A_243 = arith.index_cast %add3A_242 : i32 to index
        %get3A_244 = arith.constant 0 : index
        %get3A_245 = tpu.vector_load %arg9[%get3A_243, %get3A_244] {strides = array<i32>} : memref<200x128xf32, #tpu.memory_space<vmem>>, vector<1x16xf32>,
        %get3A_246 = vector.shape_cast %get3A_245 : vector<1x16xf32> to vector<16xf32>
        %mul3A_247 = arith.constant 8.000000e+00 : f32
        %mul3A_248 = vector.broadcast %mul3A_247 : f32 to vector<16xf32>
        %mul3A_249 = arith.mulf %get3A_246, %mul3A_248 : vector<16xf32>
        %swap3A_250 = arith.index_cast %add3A_242 : i32 to index
        %swap3A_251 = arith.constant 0 : index
        %swap3A_252 = tpu.vector_load %arg9[%swap3A_250, %swap3A_251] {strides = array<i32>} : memref<200x128xf32, #tpu.memory_space<vmem>>, vector<1x16xf32>,
        %swap3A_253 = vector.shape_cast %swap3A_252 : vector<1x16xf32> to vector<16xf32>
        %swap3A_254 = vector.shape_cast %mul3A_249 : vector<16xf32> to vector<1x16xf32>
        tpu.vector_store %arg9[%swap3A_250, %swap3A_251], %swap3A_254 {strides = array<i32>} : memref<200x128xf32, #tpu.memory_space<vmem>>, vector<1x16xf32>,
        %get3A_255 = arith.index_cast %add3A_242 : i32 to index
        %get3A_256 = arith.constant 16 : index
        %get3A_257 = tpu.vector_load %arg9[%get3A_255, %get3A_256] {strides = array<i32>} : memref<200x128xf32, #tpu.memory_space<vmem>>, vector<1x16xf32>,
        %get3A_258 = vector.shape_cast %get3A_257 : vector<1x16xf32> to vector<16xf32>
        %mul3A_259 = arith.constant 8.000000e+00 : f32
        %mul3A_260 = vector.broadcast %mul3A_259 : f32 to vector<16xf32>
        %mul3A_261 = arith.mulf %get3A_258, %mul3A_260 : vector<16xf32>
        %swap3A_262 = arith.index_cast %add3A_242 : i32 to index
        %swap3A_263 = arith.constant 16 : index
        %swap3A_264 = tpu.vector_load %arg9[%swap3A_262, %swap3A_263] {strides = array<i32>} : memref<200x128xf32, #tpu.memory_space<vmem>>, vector<1x16xf32>,
        %swap3A_265 = vector.shape_cast %swap3A_264 : vector<1x16xf32> to vector<16xf32>
        %swap3A_266 = vector.shape_cast %mul3A_261 : vector<16xf32> to vector<1x16xf32>
        tpu.vector_store %arg9[%swap3A_262, %swap3A_263], %swap3A_266 {strides = array<i32>} : memref<200x128xf32, #tpu.memory_space<vmem>>, vector<1x16xf32>,
        %get3A_267 = arith.index_cast %add3A_242 : i32 to index
        %get3A_268 = arith.constant 32 : index
        %get3A_269 = tpu.vector_load %arg9[%get3A_267, %get3A_268] {strides = array<i32>} : memref<200x128xf32, #tpu.memory_space<vmem>>, vector<1x16xf32>,
        %get3A_270 = vector.shape_cast %get3A_269 : vector<1x16xf32> to vector<16xf32>
        %mul3A_271 = arith.constant 8.000000e+00 : f32
        %mul3A_272 = vector.broadcast %mul3A_271 : f32 to vector<16xf32>
        %mul3A_273 = arith.mulf %get3A_270, %mul3A_272 : vector<16xf32>
        %swap3A_274 = arith.index_cast %add3A_242 : i32 to index
        %swap3A_275 = arith.constant 32 : index
        %swap3A_276 = tpu.vector_load %arg9[%swap3A_274, %swap3A_275] {strides = array<i32>} : memref<200x128xf32, #tpu.memory_space<vmem>>, vector<1x16xf32>,
        %swap3A_277 = vector.shape_cast %swap3A_276 : vector<1x16xf32> to vector<16xf32>
        %swap3A_278 = vector.shape_cast %mul3A_273 : vector<16xf32> to vector<1x16xf32>
        tpu.vector_store %arg9[%swap3A_274, %swap3A_275], %swap3A_278 {strides = array<i32>} : memref<200x128xf32, #tpu.memory_space<vmem>>, vector<1x16xf32>,
        %get3A_279 = arith.index_cast %add3A_242 : i32 to index
        %get3A_280 = arith.constant 48 : index
        %get3A_281 = tpu.vector_load %arg9[%get3A_279, %get3A_280] {strides = array<i32>} : memref<200x128xf32, #tpu.memory_space<vmem>>, vector<1x16xf32>,
        %get3A_282 = vector.shape_cast %get3A_281 : vector<1x16xf32> to vector<16xf32>
        %mul3A_283 = arith.constant 8.000000e+00 : f32
        %mul3A_284 = vector.broadcast %mul3A_283 : f32 to vector<16xf32>
        %mul3A_285 = arith.mulf %get3A_282, %mul3A_284 : vector<16xf32>
        %swap3A_286 = arith.index_cast %add3A_242 : i32 to index
        %swap3A_287 = arith.constant 48 : index
        %swap3A_288 = tpu.vector_load %arg9[%swap3A_286, %swap3A_287] {strides = array<i32>} : memref<200x128xf32, #tpu.memory_space<vmem>>, vector<1x16xf32>,
        %swap3A_289 = vector.shape_cast %swap3A_288 : vector<1x16xf32> to vector<16xf32>
        %swap3A_290 = vector.shape_cast %mul3A_285 : vector<16xf32> to vector<1x16xf32>
        tpu.vector_store %arg9[%swap3A_286, %swap3A_287], %swap3A_290 {strides = array<i32>} : memref<200x128xf32, #tpu.memory_space<vmem>>, vector<1x16xf32>,
        %scan3A_291 = arith.constant 2 : i32
        %scan3A_292 = arith.addi %scan3A_186, %scan3A_291 : i32
        %mul3A_293 = arith.constant 1 : i32
        %mul3A_294 = arith.muli %scan3A_292, %mul3A_293 : i32
        %add3A_295 = arith.constant 0 : i32
        %add3A_296 = arith.addi %add3A_295, %mul3A_294 : i32
        %get3A_297 = arith.index_cast %add3A_296 : i32 to index
        %get3A_298 = arith.constant 0 : index
        %get3A_299 = tpu.vector_load %arg9[%get3A_297, %get3A_298] {strides = array<i32>} : memref<200x128xf32, #tpu.memory_space<vmem>>, vector<1x16xf32>,
        %get3A_300 = vector.shape_cast %get3A_299 : vector<1x16xf32> to vector<16xf32>
        %mul3A_301 = arith.constant 8.000000e+00 : f32
        %mul3A_302 = vector.broadcast %mul3A_301 : f32 to vector<16xf32>
        %mul3A_303 = arith.mulf %get3A_300, %mul3A_302 : vector<16xf32>
        %swap3A_304 = arith.index_cast %add3A_296 : i32 to index
        %swap3A_305 = arith.constant 0 : index
        %swap3A_306 = tpu.vector_load %arg9[%swap3A_304, %swap3A_305] {strides = array<i32>} : memref<200x128xf32, #tpu.memory_space<vmem>>, vector<1x16xf32>,
        %swap3A_307 = vector.shape_cast %swap3A_306 : vector<1x16xf32> to vector<16xf32>
        %swap3A_308 = vector.shape_cast %mul3A_303 : vector<16xf32> to vector<1x16xf32>
        tpu.vector_store %arg9[%swap3A_304, %swap3A_305], %swap3A_308 {strides = array<i32>} : memref<200x128xf32, #tpu.memory_space<vmem>>, vector<1x16xf32>,
        %get3A_309 = arith.index_cast %add3A_296 : i32 to index
        %get3A_310 = arith.constant 16 : index
        %get3A_311 = tpu.vector_load %arg9[%get3A_309, %get3A_310] {strides = array<i32>} : memref<200x128xf32, #tpu.memory_space<vmem>>, vector<1x16xf32>,
        %get3A_312 = vector.shape_cast %get3A_311 : vector<1x16xf32> to vector<16xf32>
        %mul3A_313 = arith.constant 8.000000e+00 : f32
        %mul3A_314 = vector.broadcast %mul3A_313 : f32 to vector<16xf32>
        %mul3A_315 = arith.mulf %get3A_312, %mul3A_314 : vector<16xf32>
        %swap3A_316 = arith.index_cast %add3A_296 : i32 to index
        %swap3A_317 = arith.constant 16 : index
        %swap3A_318 = tpu.vector_load %arg9[%swap3A_316, %swap3A_317] {strides = array<i32>} : memref<200x128xf32, #tpu.memory_space<vmem>>, vector<1x16xf32>,
        %swap3A_319 = vector.shape_cast %swap3A_318 : vector<1x16xf32> to vector<16xf32>
        %swap3A_320 = vector.shape_cast %mul3A_315 : vector<16xf32> to vector<1x16xf32>
        tpu.vector_store %arg9[%swap3A_316, %swap3A_317], %swap3A_320 {strides = array<i32>} : memref<200x128xf32, #tpu.memory_space<vmem>>, vector<1x16xf32>,
        %get3A_321 = arith.index_cast %add3A_296 : i32 to index
        %get3A_322 = arith.constant 32 : index
        %get3A_323 = tpu.vector_load %arg9[%get3A_321, %get3A_322] {strides = array<i32>} : memref<200x128xf32, #tpu.memory_space<vmem>>, vector<1x16xf32>,
        %get3A_324 = vector.shape_cast %get3A_323 : vector<1x16xf32> to vector<16xf32>
        %mul3A_325 = arith.constant 8.000000e+00 : f32
        %mul3A_326 = vector.broadcast %mul3A_325 : f32 to vector<16xf32>
        %mul3A_327 = arith.mulf %get3A_324, %mul3A_326 : vector<16xf32>
        %swap3A_328 = arith.index_cast %add3A_296 : i32 to index
        %swap3A_329 = arith.constant 32 : index
        %swap3A_330 = tpu.vector_load %arg9[%swap3A_328, %swap3A_329] {strides = array<i32>} : memref<200x128xf32, #tpu.memory_space<vmem>>, vector<1x16xf32>,
        %swap3A_331 = vector.shape_cast %swap3A_330 : vector<1x16xf32> to vector<16xf32>
        %swap3A_332 = vector.shape_cast %mul3A_327 : vector<16xf32> to vector<1x16xf32>
        tpu.vector_store %arg9[%swap3A_328, %swap3A_329], %swap3A_332 {strides = array<i32>} : memref<200x128xf32, #tpu.memory_space<vmem>>, vector<1x16xf32>,
        %get3A_333 = arith.index_cast %add3A_296 : i32 to index
        %get3A_334 = arith.constant 48 : index
        %get3A_335 = tpu.vector_load %arg9[%get3A_333, %get3A_334] {strides = array<i32>} : memref<200x128xf32, #tpu.memory_space<vmem>>, vector<1x16xf32>,
        %get3A_336 = vector.shape_cast %get3A_335 : vector<1x16xf32> to vector<16xf32>
        %mul3A_337 = arith.constant 8.000000e+00 : f32
        %mul3A_338 = vector.broadcast %mul3A_337 : f32 to vector<16xf32>
        %mul3A_339 = arith.mulf %get3A_336, %mul3A_338 : vector<16xf32>
        %swap3A_340 = arith.index_cast %add3A_296 : i32 to index
        %swap3A_341 = arith.constant 48 : index
        %swap3A_342 = tpu.vector_load %arg9[%swap3A_340, %swap3A_341] {strides = array<i32>} : memref<200x128xf32, #tpu.memory_space<vmem>>, vector<1x16xf32>,
        %swap3A_343 = vector.shape_cast %swap3A_342 : vector<1x16xf32> to vector<16xf32>
        %swap3A_344 = vector.shape_cast %mul3A_339 : vector<16xf32> to vector<1x16xf32>
        tpu.vector_store %arg9[%swap3A_340, %swap3A_341], %swap3A_344 {strides = array<i32>} : memref<200x128xf32, #tpu.memory_space<vmem>>, vector<1x16xf32>,
        %scan3A_345 = arith.constant 3 : i32
        %scan3A_346 = arith.addi %scan3A_186, %scan3A_345 : i32
        %mul3A_347 = arith.constant 1 : i32
        %mul3A_348 = arith.muli %scan3A_346, %mul3A_347 : i32
        %add3A_349 = arith.constant 0 : i32
        %add3A_350 = arith.addi %add3A_349, %mul3A_348 : i32
        %get3A_351 = arith.index_cast %add3A_350 : i32 to index
        %get3A_352 = arith.constant 0 : index
        %get3A_353 = tpu.vector_load %arg9[%get3A_351, %get3A_352] {strides = array<i32>} : memref<200x128xf32, #tpu.memory_space<vmem>>, vector<1x16xf32>,
        %get3A_354 = vector.shape_cast %get3A_353 : vector<1x16xf32> to vector<16xf32>
        %mul3A_355 = arith.constant 8.000000e+00 : f32
        %mul3A_356 = vector.broadcast %mul3A_355 : f32 to vector<16xf32>
        %mul3A_357 = arith.mulf %get3A_354, %mul3A_356 : vector<16xf32>
        %swap3A_358 = arith.index_cast %add3A_350 : i32 to index
        %swap3A_359 = arith.constant 0 : index
        %swap3A_360 = tpu.vector_load %arg9[%swap3A_358, %swap3A_359] {strides = array<i32>} : memref<200x128xf32, #tpu.memory_space<vmem>>, vector<1x16xf32>,
        %swap3A_361 = vector.shape_cast %swap3A_360 : vector<1x16xf32> to vector<16xf32>
        %swap3A_362 = vector.shape_cast %mul3A_357 : vector<16xf32> to vector<1x16xf32>
        tpu.vector_store %arg9[%swap3A_358, %swap3A_359], %swap3A_362 {strides = array<i32>} : memref<200x128xf32, #tpu.memory_space<vmem>>, vector<1x16xf32>,
        %get3A_363 = arith.index_cast %add3A_350 : i32 to index
        %get3A_364 = arith.constant 16 : index
        %get3A_365 = tpu.vector_load %arg9[%get3A_363, %get3A_364] {strides = array<i32>} : memref<200x128xf32, #tpu.memory_space<vmem>>, vector<1x16xf32>,
        %get3A_366 = vector.shape_cast %get3A_365 : vector<1x16xf32> to vector<16xf32>
        %mul3A_367 = arith.constant 8.000000e+00 : f32
        %mul3A_368 = vector.broadcast %mul3A_367 : f32 to vector<16xf32>
        %mul3A_369 = arith.mulf %get3A_366, %mul3A_368 : vector<16xf32>
        %swap3A_370 = arith.index_cast %add3A_350 : i32 to index
        %swap3A_371 = arith.constant 16 : index
        %swap3A_372 = tpu.vector_load %arg9[%swap3A_370, %swap3A_371] {strides = array<i32>} : memref<200x128xf32, #tpu.memory_space<vmem>>, vector<1x16xf32>,
        %swap3A_373 = vector.shape_cast %swap3A_372 : vector<1x16xf32> to vector<16xf32>
        %swap3A_374 = vector.shape_cast %mul3A_369 : vector<16xf32> to vector<1x16xf32>
        tpu.vector_store %arg9[%swap3A_370, %swap3A_371], %swap3A_374 {strides = array<i32>} : memref<200x128xf32, #tpu.memory_space<vmem>>, vector<1x16xf32>,
        %get3A_375 = arith.index_cast %add3A_350 : i32 to index
        %get3A_376 = arith.constant 32 : index
        %get3A_377 = tpu.vector_load %arg9[%get3A_375, %get3A_376] {strides = array<i32>} : memref<200x128xf32, #tpu.memory_space<vmem>>, vector<1x16xf32>,
        %get3A_378 = vector.shape_cast %get3A_377 : vector<1x16xf32> to vector<16xf32>
        %mul3A_379 = arith.constant 8.000000e+00 : f32
        %mul3A_380 = vector.broadcast %mul3A_379 : f32 to vector<16xf32>
        %mul3A_381 = arith.mulf %get3A_378, %mul3A_380 : vector<16xf32>
        %swap3A_382 = arith.index_cast %add3A_350 : i32 to index
        %swap3A_383 = arith.constant 32 : index
        %swap3A_384 = tpu.vector_load %arg9[%swap3A_382, %swap3A_383] {strides = array<i32>} : memref<200x128xf32, #tpu.memory_space<vmem>>, vector<1x16xf32>,
        %swap3A_385 = vector.shape_cast %swap3A_384 : vector<1x16xf32> to vector<16xf32>
        %swap3A_386 = vector.shape_cast %mul3A_381 : vector<16xf32> to vector<1x16xf32>
        tpu.vector_store %arg9[%swap3A_382, %swap3A_383], %swap3A_386 {strides = array<i32>} : memref<200x128xf32, #tpu.memory_space<vmem>>, vector<1x16xf32>,
        %get3A_387 = arith.index_cast %add3A_350 : i32 to index
        %get3A_388 = arith.constant 48 : index
        %get3A_389 = tpu.vector_load %arg9[%get3A_387, %get3A_388] {strides = array<i32>} : memref<200x128xf32, #tpu.memory_space<vmem>>, vector<1x16xf32>,
        %get3A_390 = vector.shape_cast %get3A_389 : vector<1x16xf32> to vector<16xf32>
        %mul3A_391 = arith.constant 8.000000e+00 : f32
        %mul3A_392 = vector.broadcast %mul3A_391 : f32 to vector<16xf32>
        %mul3A_393 = arith.mulf %get3A_390, %mul3A_392 : vector<16xf32>
        %swap3A_394 = arith.index_cast %add3A_350 : i32 to index
        %swap3A_395 = arith.constant 48 : index
        %swap3A_396 = tpu.vector_load %arg9[%swap3A_394, %swap3A_395] {strides = array<i32>} : memref<200x128xf32, #tpu.memory_space<vmem>>, vector<1x16xf32>,
        %swap3A_397 = vector.shape_cast %swap3A_396 : vector<1x16xf32> to vector<16xf32>
        %swap3A_398 = vector.shape_cast %mul3A_393 : vector<16xf32> to vector<1x16xf32>
        tpu.vector_store %arg9[%swap3A_394, %swap3A_395], %swap3A_398 {strides = array<i32>} : memref<200x128xf32, #tpu.memory_space<vmem>>, vector<1x16xf32>,
      }
      %scan3A_79 = arith.constant 200 : i32
      %mul3A_80 = arith.constant 200 : i32
      %mul3A_81 = arith.muli %add3A_63, %mul3A_80 : i32
      %add3A_82 = arith.addi %mul3A_2, %mul3A_81 : i32
      %dma_start3A_83 = arith.constant 0 : i32
      %dma_start3A_84 = arith.constant 0 : i32
      %dma_start3A_85 = tpu.memref_slice %arg4[%add3A_82, %dma_start3A_84] : memref<819200x128xf32, #tpu.memory_space<hbm>> -> memref<200x128xf32, #tpu.memory_space<hbm>>
      %dma_start3A_86 = tpu.memref_slice %arg14[%dma_start3A_83] : memref<4x!tpu.dma_semaphore, #tpu.memory_space<semaphore_mem>> -> memref<1x!tpu.dma_semaphore, #tpu.memory_space<semaphore_mem>>
      %dma_start3A_87 = tpu.memref_squeeze %dma_start3A_86 : memref<1x!tpu.dma_semaphore, #tpu.memory_space<semaphore_mem>> -> memref<!tpu.dma_semaphore, #tpu.memory_space<semaphore_mem>>
      %dma_start3A_88 = arith.constant 0 : i32
      %dma_start3A_89 = tpu.memref_slice %arg4[%add3A_82, %dma_start3A_88] : memref<819200x128xf32, #tpu.memory_space<hbm>> -> memref<200x128xf32, #tpu.memory_space<hbm>>
      tpu.enqueue_dma source(%arg9 : memref<200x128xf32, #tpu.memory_space<vmem>>) target(%dma_start3A_89 : memref<200x128xf32, #tpu.memory_space<hbm>>) target_semaphore(%dma_start3A_87 : memref<!tpu.dma_semaphore, #tpu.memory_space<semaphore_mem>>)
      %add3A_90 = arith.constant 1 : i32
      %add3A_91 = arith.addi %add3A_61, %add3A_90 : i32
      %add3A_92 = arith.constant 4 : i32
      %add3A_93 = arith.addi %add3A_91, %add3A_92 : i32
      %sub3A_94 = arith.constant 1 : i32
      %sub3A_95 = arith.subi %add3A_93, %sub3A_94 : i32
      %lt3A_96 = arith.constant 128 : i32
      %lt3A_97 = arith.cmpi slt, %sub3A_95, %lt3A_96 : i32
      %convert_element_type3A_98 = arith.extui %lt3A_97 : i1 to i32
      %cond3A_99 = arith.constant 0 : i32
      %cond3A_100 = arith.cmpi ne, %convert_element_type3A_98, %cond3A_99 : i32
      scf.if %cond3A_100 {
        %mul3A_186 = arith.constant 200 : i32
        %mul3A_187 = arith.muli %sub3A_95, %mul3A_186 : i32
        %add3A_188 = arith.addi %mul3A_2, %mul3A_187 : i32
        "tpu.region"() ({
          %run_scoped3A = tpu.sem_alloc : memref<!tpu.dma_semaphore, #tpu.memory_space<semaphore_mem>>
          %dma_start3A_199 = tpu.memref_slice %arg2[%add3A_188] : memref<819200xi32, #tpu.memory_space<hbm>> -> memref<200xi32, #tpu.memory_space<hbm>>
          %dma_start3A_200 = tpu.memref_slice %arg2[%add3A_188] : memref<819200xi32, #tpu.memory_space<hbm>> -> memref<200xi32, #tpu.memory_space<hbm>>
          tpu.enqueue_dma source(%dma_start3A_200 : memref<200xi32, #tpu.memory_space<hbm>>) target(%arg5 : memref<200xi32, #tpu.memory_space<vmem>>) target_semaphore(%run_scoped3A : memref<!tpu.dma_semaphore, #tpu.memory_space<semaphore_mem>>)
          %dma_wait3A_201 = tpu.memref_slice %arg2[%add3A_188] : memref<819200xi32, #tpu.memory_space<hbm>> -> memref<200xi32, #tpu.memory_space<hbm>>
          %dma_wait3A_202 = tpu.memref_slice %arg2[%add3A_188] : memref<819200xi32, #tpu.memory_space<hbm>> -> memref<200xi32, #tpu.memory_space<hbm>>
          tpu.wait_dma2 semaphore(%run_scoped3A : memref<!tpu.dma_semaphore, #tpu.memory_space<semaphore_mem>>) src(%dma_wait3A_202 : memref<200xi32, #tpu.memory_space<hbm>>) dst(%arg5 : memref<200xi32, #tpu.memory_space<vmem>>)
          tpu.yield
        }) : () -> ()
        %ge3A = arith.constant 1 : i32
        %ge3A_189 = arith.cmpi sge, %add3A_91, %ge3A : i32
        %convert_element_type3A_190 = arith.extui %ge3A_189 : i1 to i32
        %cond3A_191 = arith.constant 0 : i32
        %cond3A_192 = arith.cmpi ne, %convert_element_type3A_190, %cond3A_191 : i32
        scf.if %cond3A_192 {
          %dma_wait3A_199 = arith.constant 0 : i32
          %dma_wait3A_200 = arith.constant 0 : i32
          %dma_wait3A_201 = tpu.memref_slice %arg4[%mul3A_2, %dma_wait3A_200] : memref<819200x128xf32, #tpu.memory_space<hbm>> -> memref<200x128xf32, #tpu.memory_space<hbm>>
          %dma_wait3A_202 = tpu.memref_slice %arg14[%dma_wait3A_199] : memref<4x!tpu.dma_semaphore, #tpu.memory_space<semaphore_mem>> -> memref<1x!tpu.dma_semaphore, #tpu.memory_space<semaphore_mem>>
          %dma_wait3A_203 = tpu.memref_squeeze %dma_wait3A_202 : memref<1x!tpu.dma_semaphore, #tpu.memory_space<semaphore_mem>> -> memref<!tpu.dma_semaphore, #tpu.memory_space<semaphore_mem>>
          %dma_wait3A_204 = arith.constant 0 : i32
          %dma_wait3A_205 = tpu.memref_slice %arg4[%mul3A_2, %dma_wait3A_204] : memref<819200x128xf32, #tpu.memory_space<hbm>> -> memref<200x128xf32, #tpu.memory_space<hbm>>
          tpu.wait_dma2 semaphore(%dma_wait3A_203 : memref<!tpu.dma_semaphore, #tpu.memory_space<semaphore_mem>>) src(%arg9 : memref<200x128xf32, #tpu.memory_space<vmem>>) dst(%dma_wait3A_205 : memref<200x128xf32, #tpu.memory_space<hbm>>)
        } else {
        }
        %dma_start3A_193 = arith.constant 0 : i32
        %dma_start3A_194 = arith.constant 0 : i32
        %dma_start3A_195 = arith.constant 0 : i32
        %dma_start3A_196 = tpu.memref_slice %arg3[%dma_start3A_194, %dma_start3A_195] : memref<1000000x128xf32, #tpu.memory_space<hbm>> -> memref<1000000x128xf32, #tpu.memory_space<hbm>>
        %dma_start3A_197 = tpu.memref_slice %arg13[%dma_start3A_193] : memref<4x!tpu.dma_semaphore, #tpu.memory_space<semaphore_mem>> -> memref<1x!tpu.dma_semaphore, #tpu.memory_space<semaphore_mem>>
        %dma_start3A_198 = tpu.memref_squeeze %dma_start3A_197 : memref<1x!tpu.dma_semaphore, #tpu.memory_space<semaphore_mem>> -> memref<!tpu.dma_semaphore, #tpu.memory_space<semaphore_mem>>
        tpu.enqueue_indirect_dma source(%dma_start3A_196 : memref<1000000x128xf32, #tpu.memory_space<hbm>>) target(%arg9 : memref<200x128xf32, #tpu.memory_space<vmem>>) offsets(%arg5 : memref<200xi32, #tpu.memory_space<vmem>>) semaphore(%dma_start3A_198 : memref<!tpu.dma_semaphore, #tpu.memory_space<semaphore_mem>>)
      } else {
      }
      %dma_wait3A_101 = arith.constant 1 : i32
      %dma_wait3A_102 = arith.constant 0 : i32
      %dma_wait3A_103 = arith.constant 0 : i32
      %dma_wait3A_104 = tpu.memref_slice %arg3[%dma_wait3A_102, %dma_wait3A_103] : memref<1000000x128xf32, #tpu.memory_space<hbm>> -> memref<1000000x128xf32, #tpu.memory_space<hbm>>
      %dma_wait3A_105 = tpu.memref_slice %arg13[%dma_wait3A_101] : memref<4x!tpu.dma_semaphore, #tpu.memory_space<semaphore_mem>> -> memref<1x!tpu.dma_semaphore, #tpu.memory_space<semaphore_mem>>
      %dma_wait3A_106 = tpu.memref_squeeze %dma_wait3A_105 : memref<1x!tpu.dma_semaphore, #tpu.memory_space<semaphore_mem>> -> memref<!tpu.dma_semaphore, #tpu.memory_space<semaphore_mem>>
      tpu.wait_indirect_dma semaphore(%dma_wait3A_106 : memref<!tpu.dma_semaphore, #tpu.memory_space<semaphore_mem>>) src(%dma_wait3A_104 : memref<1000000x128xf32, #tpu.memory_space<hbm>>) dst(%arg10 : memref<200x128xf32, #tpu.memory_space<vmem>>)
      %scan3A_107 = arith.constant 0 : i32
      %scan3A_108 = arith.constant 200 : i32
      %scan3A_109 = arith.addi %scan3A_107, %scan3A_108 : i32
      %scan3A_110 = arith.constant 4 : i32
      scf.for %scan3A_186 = %scan3A_107 to %scan3A_109 step %scan3A_110  : i32 {
        %mul3A_187 = arith.constant 1 : i32
        %mul3A_188 = arith.muli %scan3A_186, %mul3A_187 : i32
        %add3A_189 = arith.constant 0 : i32
        %add3A_190 = arith.addi %add3A_189, %mul3A_188 : i32
        %get3A = arith.index_cast %add3A_190 : i32 to index
        %get3A_191 = arith.constant 0 : index
        %get3A_192 = tpu.vector_load %arg10[%get3A, %get3A_191] {strides = array<i32>} : memref<200x128xf32, #tpu.memory_space<vmem>>, vector<1x16xf32>,
        %get3A_193 = vector.shape_cast %get3A_192 : vector<1x16xf32> to vector<16xf32>
        %mul3A_194 = arith.constant 8.000000e+00 : f32
        %mul3A_195 = vector.broadcast %mul3A_194 : f32 to vector<16xf32>
        %mul3A_196 = arith.mulf %get3A_193, %mul3A_195 : vector<16xf32>
        %swap3A = arith.index_cast %add3A_190 : i32 to index
        %swap3A_197 = arith.constant 0 : index
        %swap3A_198 = tpu.vector_load %arg10[%swap3A, %swap3A_197] {strides = array<i32>} : memref<200x128xf32, #tpu.memory_space<vmem>>, vector<1x16xf32>,
        %swap3A_199 = vector.shape_cast %swap3A_198 : vector<1x16xf32> to vector<16xf32>
        %swap3A_200 = vector.shape_cast %mul3A_196 : vector<16xf32> to vector<1x16xf32>
        tpu.vector_store %arg10[%swap3A, %swap3A_197], %swap3A_200 {strides = array<i32>} : memref<200x128xf32, #tpu.memory_space<vmem>>, vector<1x16xf32>,
        %get3A_201 = arith.index_cast %add3A_190 : i32 to index
        %get3A_202 = arith.constant 16 : index
        %get3A_203 = tpu.vector_load %arg10[%get3A_201, %get3A_202] {strides = array<i32>} : memref<200x128xf32, #tpu.memory_space<vmem>>, vector<1x16xf32>,
        %get3A_204 = vector.shape_cast %get3A_203 : vector<1x16xf32> to vector<16xf32>
        %mul3A_205 = arith.constant 8.000000e+00 : f32
        %mul3A_206 = vector.broadcast %mul3A_205 : f32 to vector<16xf32>
        %mul3A_207 = arith.mulf %get3A_204, %mul3A_206 : vector<16xf32>
        %swap3A_208 = arith.index_cast %add3A_190 : i32 to index
        %swap3A_209 = arith.constant 16 : index
        %swap3A_210 = tpu.vector_load %arg10[%swap3A_208, %swap3A_209] {strides = array<i32>} : memref<200x128xf32, #tpu.memory_space<vmem>>, vector<1x16xf32>,
        %swap3A_211 = vector.shape_cast %swap3A_210 : vector<1x16xf32> to vector<16xf32>
        %swap3A_212 = vector.shape_cast %mul3A_207 : vector<16xf32> to vector<1x16xf32>
        tpu.vector_store %arg10[%swap3A_208, %swap3A_209], %swap3A_212 {strides = array<i32>} : memref<200x128xf32, #tpu.memory_space<vmem>>, vector<1x16xf32>,
        %get3A_213 = arith.index_cast %add3A_190 : i32 to index
        %get3A_214 = arith.constant 32 : index
        %get3A_215 = tpu.vector_load %arg10[%get3A_213, %get3A_214] {strides = array<i32>} : memref<200x128xf32, #tpu.memory_space<vmem>>, vector<1x16xf32>,
        %get3A_216 = vector.shape_cast %get3A_215 : vector<1x16xf32> to vector<16xf32>
        %mul3A_217 = arith.constant 8.000000e+00 : f32
        %mul3A_218 = vector.broadcast %mul3A_217 : f32 to vector<16xf32>
        %mul3A_219 = arith.mulf %get3A_216, %mul3A_218 : vector<16xf32>
        %swap3A_220 = arith.index_cast %add3A_190 : i32 to index
        %swap3A_221 = arith.constant 32 : index
        %swap3A_222 = tpu.vector_load %arg10[%swap3A_220, %swap3A_221] {strides = array<i32>} : memref<200x128xf32, #tpu.memory_space<vmem>>, vector<1x16xf32>,
        %swap3A_223 = vector.shape_cast %swap3A_222 : vector<1x16xf32> to vector<16xf32>
        %swap3A_224 = vector.shape_cast %mul3A_219 : vector<16xf32> to vector<1x16xf32>
        tpu.vector_store %arg10[%swap3A_220, %swap3A_221], %swap3A_224 {strides = array<i32>} : memref<200x128xf32, #tpu.memory_space<vmem>>, vector<1x16xf32>,
        %get3A_225 = arith.index_cast %add3A_190 : i32 to index
        %get3A_226 = arith.constant 48 : index
        %get3A_227 = tpu.vector_load %arg10[%get3A_225, %get3A_226] {strides = array<i32>} : memref<200x128xf32, #tpu.memory_space<vmem>>, vector<1x16xf32>,
        %get3A_228 = vector.shape_cast %get3A_227 : vector<1x16xf32> to vector<16xf32>
        %mul3A_229 = arith.constant 8.000000e+00 : f32
        %mul3A_230 = vector.broadcast %mul3A_229 : f32 to vector<16xf32>
        %mul3A_231 = arith.mulf %get3A_228, %mul3A_230 : vector<16xf32>
        %swap3A_232 = arith.index_cast %add3A_190 : i32 to index
        %swap3A_233 = arith.constant 48 : index
        %swap3A_234 = tpu.vector_load %arg10[%swap3A_232, %swap3A_233] {strides = array<i32>} : memref<200x128xf32, #tpu.memory_space<vmem>>, vector<1x16xf32>,
        %swap3A_235 = vector.shape_cast %swap3A_234 : vector<1x16xf32> to vector<16xf32>
        %swap3A_236 = vector.shape_cast %mul3A_231 : vector<16xf32> to vector<1x16xf32>
        tpu.vector_store %arg10[%swap3A_232, %swap3A_233], %swap3A_236 {strides = array<i32>} : memref<200x128xf32, #tpu.memory_space<vmem>>, vector<1x16xf32>,
        %scan3A_237 = arith.constant 1 : i32
        %scan3A_238 = arith.addi %scan3A_186, %scan3A_237 : i32
        %mul3A_239 = arith.constant 1 : i32
        %mul3A_240 = arith.muli %scan3A_238, %mul3A_239 : i32
        %add3A_241 = arith.constant 0 : i32
        %add3A_242 = arith.addi %add3A_241, %mul3A_240 : i32
        %get3A_243 = arith.index_cast %add3A_242 : i32 to index
        %get3A_244 = arith.constant 0 : index
        %get3A_245 = tpu.vector_load %arg10[%get3A_243, %get3A_244] {strides = array<i32>} : memref<200x128xf32, #tpu.memory_space<vmem>>, vector<1x16xf32>,
        %get3A_246 = vector.shape_cast %get3A_245 : vector<1x16xf32> to vector<16xf32>
        %mul3A_247 = arith.constant 8.000000e+00 : f32
        %mul3A_248 = vector.broadcast %mul3A_247 : f32 to vector<16xf32>
        %mul3A_249 = arith.mulf %get3A_246, %mul3A_248 : vector<16xf32>
        %swap3A_250 = arith.index_cast %add3A_242 : i32 to index
        %swap3A_251 = arith.constant 0 : index
        %swap3A_252 = tpu.vector_load %arg10[%swap3A_250, %swap3A_251] {strides = array<i32>} : memref<200x128xf32, #tpu.memory_space<vmem>>, vector<1x16xf32>,
        %swap3A_253 = vector.shape_cast %swap3A_252 : vector<1x16xf32> to vector<16xf32>
        %swap3A_254 = vector.shape_cast %mul3A_249 : vector<16xf32> to vector<1x16xf32>
        tpu.vector_store %arg10[%swap3A_250, %swap3A_251], %swap3A_254 {strides = array<i32>} : memref<200x128xf32, #tpu.memory_space<vmem>>, vector<1x16xf32>,
        %get3A_255 = arith.index_cast %add3A_242 : i32 to index
        %get3A_256 = arith.constant 16 : index
        %get3A_257 = tpu.vector_load %arg10[%get3A_255, %get3A_256] {strides = array<i32>} : memref<200x128xf32, #tpu.memory_space<vmem>>, vector<1x16xf32>,
        %get3A_258 = vector.shape_cast %get3A_257 : vector<1x16xf32> to vector<16xf32>
        %mul3A_259 = arith.constant 8.000000e+00 : f32
        %mul3A_260 = vector.broadcast %mul3A_259 : f32 to vector<16xf32>
        %mul3A_261 = arith.mulf %get3A_258, %mul3A_260 : vector<16xf32>
        %swap3A_262 = arith.index_cast %add3A_242 : i32 to index
        %swap3A_263 = arith.constant 16 : index
        %swap3A_264 = tpu.vector_load %arg10[%swap3A_262, %swap3A_263] {strides = array<i32>} : memref<200x128xf32, #tpu.memory_space<vmem>>, vector<1x16xf32>,
        %swap3A_265 = vector.shape_cast %swap3A_264 : vector<1x16xf32> to vector<16xf32>
        %swap3A_266 = vector.shape_cast %mul3A_261 : vector<16xf32> to vector<1x16xf32>
        tpu.vector_store %arg10[%swap3A_262, %swap3A_263], %swap3A_266 {strides = array<i32>} : memref<200x128xf32, #tpu.memory_space<vmem>>, vector<1x16xf32>,
        %get3A_267 = arith.index_cast %add3A_242 : i32 to index
        %get3A_268 = arith.constant 32 : index
        %get3A_269 = tpu.vector_load %arg10[%get3A_267, %get3A_268] {strides = array<i32>} : memref<200x128xf32, #tpu.memory_space<vmem>>, vector<1x16xf32>,
        %get3A_270 = vector.shape_cast %get3A_269 : vector<1x16xf32> to vector<16xf32>
        %mul3A_271 = arith.constant 8.000000e+00 : f32
        %mul3A_272 = vector.broadcast %mul3A_271 : f32 to vector<16xf32>
        %mul3A_273 = arith.mulf %get3A_270, %mul3A_272 : vector<16xf32>
        %swap3A_274 = arith.index_cast %add3A_242 : i32 to index
        %swap3A_275 = arith.constant 32 : index
        %swap3A_276 = tpu.vector_load %arg10[%swap3A_274, %swap3A_275] {strides = array<i32>} : memref<200x128xf32, #tpu.memory_space<vmem>>, vector<1x16xf32>,
        %swap3A_277 = vector.shape_cast %swap3A_276 : vector<1x16xf32> to vector<16xf32>
        %swap3A_278 = vector.shape_cast %mul3A_273 : vector<16xf32> to vector<1x16xf32>
        tpu.vector_store %arg10[%swap3A_274, %swap3A_275], %swap3A_278 {strides = array<i32>} : memref<200x128xf32, #tpu.memory_space<vmem>>, vector<1x16xf32>,
        %get3A_279 = arith.index_cast %add3A_242 : i32 to index
        %get3A_280 = arith.constant 48 : index
        %get3A_281 = tpu.vector_load %arg10[%get3A_279, %get3A_280] {strides = array<i32>} : memref<200x128xf32, #tpu.memory_space<vmem>>, vector<1x16xf32>,
        %get3A_282 = vector.shape_cast %get3A_281 : vector<1x16xf32> to vector<16xf32>
        %mul3A_283 = arith.constant 8.000000e+00 : f32
        %mul3A_284 = vector.broadcast %mul3A_283 : f32 to vector<16xf32>
        %mul3A_285 = arith.mulf %get3A_282, %mul3A_284 : vector<16xf32>
        %swap3A_286 = arith.index_cast %add3A_242 : i32 to index
        %swap3A_287 = arith.constant 48 : index
        %swap3A_288 = tpu.vector_load %arg10[%swap3A_286, %swap3A_287] {strides = array<i32>} : memref<200x128xf32, #tpu.memory_space<vmem>>, vector<1x16xf32>,
        %swap3A_289 = vector.shape_cast %swap3A_288 : vector<1x16xf32> to vector<16xf32>
        %swap3A_290 = vector.shape_cast %mul3A_285 : vector<16xf32> to vector<1x16xf32>
        tpu.vector_store %arg10[%swap3A_286, %swap3A_287], %swap3A_290 {strides = array<i32>} : memref<200x128xf32, #tpu.memory_space<vmem>>, vector<1x16xf32>,
        %scan3A_291 = arith.constant 2 : i32
        %scan3A_292 = arith.addi %scan3A_186, %scan3A_291 : i32
        %mul3A_293 = arith.constant 1 : i32
        %mul3A_294 = arith.muli %scan3A_292, %mul3A_293 : i32
        %add3A_295 = arith.constant 0 : i32
        %add3A_296 = arith.addi %add3A_295, %mul3A_294 : i32
        %get3A_297 = arith.index_cast %add3A_296 : i32 to index
        %get3A_298 = arith.constant 0 : index
        %get3A_299 = tpu.vector_load %arg10[%get3A_297, %get3A_298] {strides = array<i32>} : memref<200x128xf32, #tpu.memory_space<vmem>>, vector<1x16xf32>,
        %get3A_300 = vector.shape_cast %get3A_299 : vector<1x16xf32> to vector<16xf32>
        %mul3A_301 = arith.constant 8.000000e+00 : f32
        %mul3A_302 = vector.broadcast %mul3A_301 : f32 to vector<16xf32>
        %mul3A_303 = arith.mulf %get3A_300, %mul3A_302 : vector<16xf32>
        %swap3A_304 = arith.index_cast %add3A_296 : i32 to index
        %swap3A_305 = arith.constant 0 : index
        %swap3A_306 = tpu.vector_load %arg10[%swap3A_304, %swap3A_305] {strides = array<i32>} : memref<200x128xf32, #tpu.memory_space<vmem>>, vector<1x16xf32>,
        %swap3A_307 = vector.shape_cast %swap3A_306 : vector<1x16xf32> to vector<16xf32>
        %swap3A_308 = vector.shape_cast %mul3A_303 : vector<16xf32> to vector<1x16xf32>
        tpu.vector_store %arg10[%swap3A_304, %swap3A_305], %swap3A_308 {strides = array<i32>} : memref<200x128xf32, #tpu.memory_space<vmem>>, vector<1x16xf32>,
        %get3A_309 = arith.index_cast %add3A_296 : i32 to index
        %get3A_310 = arith.constant 16 : index
        %get3A_311 = tpu.vector_load %arg10[%get3A_309, %get3A_310] {strides = array<i32>} : memref<200x128xf32, #tpu.memory_space<vmem>>, vector<1x16xf32>,
        %get3A_312 = vector.shape_cast %get3A_311 : vector<1x16xf32> to vector<16xf32>
        %mul3A_313 = arith.constant 8.000000e+00 : f32
        %mul3A_314 = vector.broadcast %mul3A_313 : f32 to vector<16xf32>
        %mul3A_315 = arith.mulf %get3A_312, %mul3A_314 : vector<16xf32>
        %swap3A_316 = arith.index_cast %add3A_296 : i32 to index
        %swap3A_317 = arith.constant 16 : index
        %swap3A_318 = tpu.vector_load %arg10[%swap3A_316, %swap3A_317] {strides = array<i32>} : memref<200x128xf32, #tpu.memory_space<vmem>>, vector<1x16xf32>,
        %swap3A_319 = vector.shape_cast %swap3A_318 : vector<1x16xf32> to vector<16xf32>
        %swap3A_320 = vector.shape_cast %mul3A_315 : vector<16xf32> to vector<1x16xf32>
        tpu.vector_store %arg10[%swap3A_316, %swap3A_317], %swap3A_320 {strides = array<i32>} : memref<200x128xf32, #tpu.memory_space<vmem>>, vector<1x16xf32>,
        %get3A_321 = arith.index_cast %add3A_296 : i32 to index
        %get3A_322 = arith.constant 32 : index
        %get3A_323 = tpu.vector_load %arg10[%get3A_321, %get3A_322] {strides = array<i32>} : memref<200x128xf32, #tpu.memory_space<vmem>>, vector<1x16xf32>,
        %get3A_324 = vector.shape_cast %get3A_323 : vector<1x16xf32> to vector<16xf32>
        %mul3A_325 = arith.constant 8.000000e+00 : f32
        %mul3A_326 = vector.broadcast %mul3A_325 : f32 to vector<16xf32>
        %mul3A_327 = arith.mulf %get3A_324, %mul3A_326 : vector<16xf32>
        %swap3A_328 = arith.index_cast %add3A_296 : i32 to index
        %swap3A_329 = arith.constant 32 : index
        %swap3A_330 = tpu.vector_load %arg10[%swap3A_328, %swap3A_329] {strides = array<i32>} : memref<200x128xf32, #tpu.memory_space<vmem>>, vector<1x16xf32>,
        %swap3A_331 = vector.shape_cast %swap3A_330 : vector<1x16xf32> to vector<16xf32>
        %swap3A_332 = vector.shape_cast %mul3A_327 : vector<16xf32> to vector<1x16xf32>
        tpu.vector_store %arg10[%swap3A_328, %swap3A_329], %swap3A_332 {strides = array<i32>} : memref<200x128xf32, #tpu.memory_space<vmem>>, vector<1x16xf32>,
        %get3A_333 = arith.index_cast %add3A_296 : i32 to index
        %get3A_334 = arith.constant 48 : index
        %get3A_335 = tpu.vector_load %arg10[%get3A_333, %get3A_334] {strides = array<i32>} : memref<200x128xf32, #tpu.memory_space<vmem>>, vector<1x16xf32>,
        %get3A_336 = vector.shape_cast %get3A_335 : vector<1x16xf32> to vector<16xf32>
        %mul3A_337 = arith.constant 8.000000e+00 : f32
        %mul3A_338 = vector.broadcast %mul3A_337 : f32 to vector<16xf32>
        %mul3A_339 = arith.mulf %get3A_336, %mul3A_338 : vector<16xf32>
        %swap3A_340 = arith.index_cast %add3A_296 : i32 to index
        %swap3A_341 = arith.constant 48 : index
        %swap3A_342 = tpu.vector_load %arg10[%swap3A_340, %swap3A_341] {strides = array<i32>} : memref<200x128xf32, #tpu.memory_space<vmem>>, vector<1x16xf32>,
        %swap3A_343 = vector.shape_cast %swap3A_342 : vector<1x16xf32> to vector<16xf32>
        %swap3A_344 = vector.shape_cast %mul3A_339 : vector<16xf32> to vector<1x16xf32>
        tpu.vector_store %arg10[%swap3A_340, %swap3A_341], %swap3A_344 {strides = array<i32>} : memref<200x128xf32, #tpu.memory_space<vmem>>, vector<1x16xf32>,
        %scan3A_345 = arith.constant 3 : i32
        %scan3A_346 = arith.addi %scan3A_186, %scan3A_345 : i32
        %mul3A_347 = arith.constant 1 : i32
        %mul3A_348 = arith.muli %scan3A_346, %mul3A_347 : i32
        %add3A_349 = arith.constant 0 : i32
        %add3A_350 = arith.addi %add3A_349, %mul3A_348 : i32
        %get3A_351 = arith.index_cast %add3A_350 : i32 to index
        %get3A_352 = arith.constant 0 : index
        %get3A_353 = tpu.vector_load %arg10[%get3A_351, %get3A_352] {strides = array<i32>} : memref<200x128xf32, #tpu.memory_space<vmem>>, vector<1x16xf32>,
        %get3A_354 = vector.shape_cast %get3A_353 : vector<1x16xf32> to vector<16xf32>
        %mul3A_355 = arith.constant 8.000000e+00 : f32
        %mul3A_356 = vector.broadcast %mul3A_355 : f32 to vector<16xf32>
        %mul3A_357 = arith.mulf %get3A_354, %mul3A_356 : vector<16xf32>
        %swap3A_358 = arith.index_cast %add3A_350 : i32 to index
        %swap3A_359 = arith.constant 0 : index
        %swap3A_360 = tpu.vector_load %arg10[%swap3A_358, %swap3A_359] {strides = array<i32>} : memref<200x128xf32, #tpu.memory_space<vmem>>, vector<1x16xf32>,
        %swap3A_361 = vector.shape_cast %swap3A_360 : vector<1x16xf32> to vector<16xf32>
        %swap3A_362 = vector.shape_cast %mul3A_357 : vector<16xf32> to vector<1x16xf32>
        tpu.vector_store %arg10[%swap3A_358, %swap3A_359], %swap3A_362 {strides = array<i32>} : memref<200x128xf32, #tpu.memory_space<vmem>>, vector<1x16xf32>,
        %get3A_363 = arith.index_cast %add3A_350 : i32 to index
        %get3A_364 = arith.constant 16 : index
        %get3A_365 = tpu.vector_load %arg10[%get3A_363, %get3A_364] {strides = array<i32>} : memref<200x128xf32, #tpu.memory_space<vmem>>, vector<1x16xf32>,
        %get3A_366 = vector.shape_cast %get3A_365 : vector<1x16xf32> to vector<16xf32>
        %mul3A_367 = arith.constant 8.000000e+00 : f32
        %mul3A_368 = vector.broadcast %mul3A_367 : f32 to vector<16xf32>
        %mul3A_369 = arith.mulf %get3A_366, %mul3A_368 : vector<16xf32>
        %swap3A_370 = arith.index_cast %add3A_350 : i32 to index
        %swap3A_371 = arith.constant 16 : index
        %swap3A_372 = tpu.vector_load %arg10[%swap3A_370, %swap3A_371] {strides = array<i32>} : memref<200x128xf32, #tpu.memory_space<vmem>>, vector<1x16xf32>,
        %swap3A_373 = vector.shape_cast %swap3A_372 : vector<1x16xf32> to vector<16xf32>
        %swap3A_374 = vector.shape_cast %mul3A_369 : vector<16xf32> to vector<1x16xf32>
        tpu.vector_store %arg10[%swap3A_370, %swap3A_371], %swap3A_374 {strides = array<i32>} : memref<200x128xf32, #tpu.memory_space<vmem>>, vector<1x16xf32>,
        %get3A_375 = arith.index_cast %add3A_350 : i32 to index
        %get3A_376 = arith.constant 32 : index
        %get3A_377 = tpu.vector_load %arg10[%get3A_375, %get3A_376] {strides = array<i32>} : memref<200x128xf32, #tpu.memory_space<vmem>>, vector<1x16xf32>,
        %get3A_378 = vector.shape_cast %get3A_377 : vector<1x16xf32> to vector<16xf32>
        %mul3A_379 = arith.constant 8.000000e+00 : f32
        %mul3A_380 = vector.broadcast %mul3A_379 : f32 to vector<16xf32>
        %mul3A_381 = arith.mulf %get3A_378, %mul3A_380 : vector<16xf32>
        %swap3A_382 = arith.index_cast %add3A_350 : i32 to index
        %swap3A_383 = arith.constant 32 : index
        %swap3A_384 = tpu.vector_load %arg10[%swap3A_382, %swap3A_383] {strides = array<i32>} : memref<200x128xf32, #tpu.memory_space<vmem>>, vector<1x16xf32>,
        %swap3A_385 = vector.shape_cast %swap3A_384 : vector<1x16xf32> to vector<16xf32>
        %swap3A_386 = vector.shape_cast %mul3A_381 : vector<16xf32> to vector<1x16xf32>
        tpu.vector_store %arg10[%swap3A_382, %swap3A_383], %swap3A_386 {strides = array<i32>} : memref<200x128xf32, #tpu.memory_space<vmem>>, vector<1x16xf32>,
        %get3A_387 = arith.index_cast %add3A_350 : i32 to index
        %get3A_388 = arith.constant 48 : index
        %get3A_389 = tpu.vector_load %arg10[%get3A_387, %get3A_388] {strides = array<i32>} : memref<200x128xf32, #tpu.memory_space<vmem>>, vector<1x16xf32>,
        %get3A_390 = vector.shape_cast %get3A_389 : vector<1x16xf32> to vector<16xf32>
        %mul3A_391 = arith.constant 8.000000e+00 : f32
        %mul3A_392 = vector.broadcast %mul3A_391 : f32 to vector<16xf32>
        %mul3A_393 = arith.mulf %get3A_390, %mul3A_392 : vector<16xf32>
        %swap3A_394 = arith.index_cast %add3A_350 : i32 to index
        %swap3A_395 = arith.constant 48 : index
        %swap3A_396 = tpu.vector_load %arg10[%swap3A_394, %swap3A_395] {strides = array<i32>} : memref<200x128xf32, #tpu.memory_space<vmem>>, vector<1x16xf32>,
        %swap3A_397 = vector.shape_cast %swap3A_396 : vector<1x16xf32> to vector<16xf32>
        %swap3A_398 = vector.shape_cast %mul3A_393 : vector<16xf32> to vector<1x16xf32>
        tpu.vector_store %arg10[%swap3A_394, %swap3A_395], %swap3A_398 {strides = array<i32>} : memref<200x128xf32, #tpu.memory_space<vmem>>, vector<1x16xf32>,
      }
      %scan3A_111 = arith.constant 200 : i32
      %mul3A_112 = arith.constant 200 : i32
      %mul3A_113 = arith.muli %add3A_91, %mul3A_112 : i32
      %add3A_114 = arith.addi %mul3A_2, %mul3A_113 : i32
      %dma_start3A_115 = arith.constant 1 : i32
      %dma_start3A_116 = arith.constant 0 : i32
      %dma_start3A_117 = tpu.memref_slice %arg4[%add3A_114, %dma_start3A_116] : memref<819200x128xf32, #tpu.memory_space<hbm>> -> memref<200x128xf32, #tpu.memory_space<hbm>>
      %dma_start3A_118 = tpu.memref_slice %arg14[%dma_start3A_115] : memref<4x!tpu.dma_semaphore, #tpu.memory_space<semaphore_mem>> -> memref<1x!tpu.dma_semaphore, #tpu.memory_space<semaphore_mem>>
      %dma_start3A_119 = tpu.memref_squeeze %dma_start3A_118 : memref<1x!tpu.dma_semaphore, #tpu.memory_space<semaphore_mem>> -> memref<!tpu.dma_semaphore, #tpu.memory_space<semaphore_mem>>
      %dma_start3A_120 = arith.constant 0 : i32
      %dma_start3A_121 = tpu.memref_slice %arg4[%add3A_114, %dma_start3A_120] : memref<819200x128xf32, #tpu.memory_space<hbm>> -> memref<200x128xf32, #tpu.memory_space<hbm>>
      tpu.enqueue_dma source(%arg10 : memref<200x128xf32, #tpu.memory_space<vmem>>) target(%dma_start3A_121 : memref<200x128xf32, #tpu.memory_space<hbm>>) target_semaphore(%dma_start3A_119 : memref<!tpu.dma_semaphore, #tpu.memory_space<semaphore_mem>>)
      %add3A_122 = arith.constant 2 : i32
      %add3A_123 = arith.addi %add3A_61, %add3A_122 : i32
      %add3A_124 = arith.constant 4 : i32
      %add3A_125 = arith.addi %add3A_123, %add3A_124 : i32
      %sub3A_126 = arith.constant 1 : i32
      %sub3A_127 = arith.subi %add3A_125, %sub3A_126 : i32
      %lt3A_128 = arith.constant 128 : i32
      %lt3A_129 = arith.cmpi slt, %sub3A_127, %lt3A_128 : i32
      %convert_element_type3A_130 = arith.extui %lt3A_129 : i1 to i32
      %cond3A_131 = arith.constant 0 : i32
      %cond3A_132 = arith.cmpi ne, %convert_element_type3A_130, %cond3A_131 : i32
      scf.if %cond3A_132 {
        %mul3A_186 = arith.constant 200 : i32
        %mul3A_187 = arith.muli %sub3A_127, %mul3A_186 : i32
        %add3A_188 = arith.addi %mul3A_2, %mul3A_187 : i32
        "tpu.region"() ({
          %run_scoped3A = tpu.sem_alloc : memref<!tpu.dma_semaphore, #tpu.memory_space<semaphore_mem>>
          %dma_start3A_199 = tpu.memref_slice %arg2[%add3A_188] : memref<819200xi32, #tpu.memory_space<hbm>> -> memref<200xi32, #tpu.memory_space<hbm>>
          %dma_start3A_200 = tpu.memref_slice %arg2[%add3A_188] : memref<819200xi32, #tpu.memory_space<hbm>> -> memref<200xi32, #tpu.memory_space<hbm>>
          tpu.enqueue_dma source(%dma_start3A_200 : memref<200xi32, #tpu.memory_space<hbm>>) target(%arg6 : memref<200xi32, #tpu.memory_space<vmem>>) target_semaphore(%run_scoped3A : memref<!tpu.dma_semaphore, #tpu.memory_space<semaphore_mem>>)
          %dma_wait3A_201 = tpu.memref_slice %arg2[%add3A_188] : memref<819200xi32, #tpu.memory_space<hbm>> -> memref<200xi32, #tpu.memory_space<hbm>>
          %dma_wait3A_202 = tpu.memref_slice %arg2[%add3A_188] : memref<819200xi32, #tpu.memory_space<hbm>> -> memref<200xi32, #tpu.memory_space<hbm>>
          tpu.wait_dma2 semaphore(%run_scoped3A : memref<!tpu.dma_semaphore, #tpu.memory_space<semaphore_mem>>) src(%dma_wait3A_202 : memref<200xi32, #tpu.memory_space<hbm>>) dst(%arg6 : memref<200xi32, #tpu.memory_space<vmem>>)
          tpu.yield
        }) : () -> ()
        %ge3A = arith.constant 1 : i32
        %ge3A_189 = arith.cmpi sge, %add3A_123, %ge3A : i32
        %convert_element_type3A_190 = arith.extui %ge3A_189 : i1 to i32
        %cond3A_191 = arith.constant 0 : i32
        %cond3A_192 = arith.cmpi ne, %convert_element_type3A_190, %cond3A_191 : i32
        scf.if %cond3A_192 {
          %dma_wait3A_199 = arith.constant 1 : i32
          %dma_wait3A_200 = arith.constant 0 : i32
          %dma_wait3A_201 = tpu.memref_slice %arg4[%mul3A_2, %dma_wait3A_200] : memref<819200x128xf32, #tpu.memory_space<hbm>> -> memref<200x128xf32, #tpu.memory_space<hbm>>
          %dma_wait3A_202 = tpu.memref_slice %arg14[%dma_wait3A_199] : memref<4x!tpu.dma_semaphore, #tpu.memory_space<semaphore_mem>> -> memref<1x!tpu.dma_semaphore, #tpu.memory_space<semaphore_mem>>
          %dma_wait3A_203 = tpu.memref_squeeze %dma_wait3A_202 : memref<1x!tpu.dma_semaphore, #tpu.memory_space<semaphore_mem>> -> memref<!tpu.dma_semaphore, #tpu.memory_space<semaphore_mem>>
          %dma_wait3A_204 = arith.constant 0 : i32
          %dma_wait3A_205 = tpu.memref_slice %arg4[%mul3A_2, %dma_wait3A_204] : memref<819200x128xf32, #tpu.memory_space<hbm>> -> memref<200x128xf32, #tpu.memory_space<hbm>>
          tpu.wait_dma2 semaphore(%dma_wait3A_203 : memref<!tpu.dma_semaphore, #tpu.memory_space<semaphore_mem>>) src(%arg10 : memref<200x128xf32, #tpu.memory_space<vmem>>) dst(%dma_wait3A_205 : memref<200x128xf32, #tpu.memory_space<hbm>>)
        } else {
        }
        %dma_start3A_193 = arith.constant 1 : i32
        %dma_start3A_194 = arith.constant 0 : i32
        %dma_start3A_195 = arith.constant 0 : i32
        %dma_start3A_196 = tpu.memref_slice %arg3[%dma_start3A_194, %dma_start3A_195] : memref<1000000x128xf32, #tpu.memory_space<hbm>> -> memref<1000000x128xf32, #tpu.memory_space<hbm>>
        %dma_start3A_197 = tpu.memref_slice %arg13[%dma_start3A_193] : memref<4x!tpu.dma_semaphore, #tpu.memory_space<semaphore_mem>> -> memref<1x!tpu.dma_semaphore, #tpu.memory_space<semaphore_mem>>
        %dma_start3A_198 = tpu.memref_squeeze %dma_start3A_197 : memref<1x!tpu.dma_semaphore, #tpu.memory_space<semaphore_mem>> -> memref<!tpu.dma_semaphore, #tpu.memory_space<semaphore_mem>>
        tpu.enqueue_indirect_dma source(%dma_start3A_196 : memref<1000000x128xf32, #tpu.memory_space<hbm>>) target(%arg10 : memref<200x128xf32, #tpu.memory_space<vmem>>) offsets(%arg6 : memref<200xi32, #tpu.memory_space<vmem>>) semaphore(%dma_start3A_198 : memref<!tpu.dma_semaphore, #tpu.memory_space<semaphore_mem>>)
      } else {
      }
      %dma_wait3A_133 = arith.constant 2 : i32
      %dma_wait3A_134 = arith.constant 0 : i32
      %dma_wait3A_135 = arith.constant 0 : i32
      %dma_wait3A_136 = tpu.memref_slice %arg3[%dma_wait3A_134, %dma_wait3A_135] : memref<1000000x128xf32, #tpu.memory_space<hbm>> -> memref<1000000x128xf32, #tpu.memory_space<hbm>>
      %dma_wait3A_137 = tpu.memref_slice %arg13[%dma_wait3A_133] : memref<4x!tpu.dma_semaphore, #tpu.memory_space<semaphore_mem>> -> memref<1x!tpu.dma_semaphore, #tpu.memory_space<semaphore_mem>>
      %dma_wait3A_138 = tpu.memref_squeeze %dma_wait3A_137 : memref<1x!tpu.dma_semaphore, #tpu.memory_space<semaphore_mem>> -> memref<!tpu.dma_semaphore, #tpu.memory_space<semaphore_mem>>
      tpu.wait_indirect_dma semaphore(%dma_wait3A_138 : memref<!tpu.dma_semaphore, #tpu.memory_space<semaphore_mem>>) src(%dma_wait3A_136 : memref<1000000x128xf32, #tpu.memory_space<hbm>>) dst(%arg11 : memref<200x128xf32, #tpu.memory_space<vmem>>)
      %scan3A_139 = arith.constant 0 : i32
      %scan3A_140 = arith.constant 200 : i32
      %scan3A_141 = arith.addi %scan3A_139, %scan3A_140 : i32
      %scan3A_142 = arith.constant 4 : i32
      scf.for %scan3A_186 = %scan3A_139 to %scan3A_141 step %scan3A_142  : i32 {
        %mul3A_187 = arith.constant 1 : i32
        %mul3A_188 = arith.muli %scan3A_186, %mul3A_187 : i32
        %add3A_189 = arith.constant 0 : i32
        %add3A_190 = arith.addi %add3A_189, %mul3A_188 : i32
        %get3A = arith.index_cast %add3A_190 : i32 to index
        %get3A_191 = arith.constant 0 : index
        %get3A_192 = tpu.vector_load %arg11[%get3A, %get3A_191] {strides = array<i32>} : memref<200x128xf32, #tpu.memory_space<vmem>>, vector<1x16xf32>,
        %get3A_193 = vector.shape_cast %get3A_192 : vector<1x16xf32> to vector<16xf32>
        %mul3A_194 = arith.constant 8.000000e+00 : f32
        %mul3A_195 = vector.broadcast %mul3A_194 : f32 to vector<16xf32>
        %mul3A_196 = arith.mulf %get3A_193, %mul3A_195 : vector<16xf32>
        %swap3A = arith.index_cast %add3A_190 : i32 to index
        %swap3A_197 = arith.constant 0 : index
        %swap3A_198 = tpu.vector_load %arg11[%swap3A, %swap3A_197] {strides = array<i32>} : memref<200x128xf32, #tpu.memory_space<vmem>>, vector<1x16xf32>,
        %swap3A_199 = vector.shape_cast %swap3A_198 : vector<1x16xf32> to vector<16xf32>
        %swap3A_200 = vector.shape_cast %mul3A_196 : vector<16xf32> to vector<1x16xf32>
        tpu.vector_store %arg11[%swap3A, %swap3A_197], %swap3A_200 {strides = array<i32>} : memref<200x128xf32, #tpu.memory_space<vmem>>, vector<1x16xf32>,
        %get3A_201 = arith.index_cast %add3A_190 : i32 to index
        %get3A_202 = arith.constant 16 : index
        %get3A_203 = tpu.vector_load %arg11[%get3A_201, %get3A_202] {strides = array<i32>} : memref<200x128xf32, #tpu.memory_space<vmem>>, vector<1x16xf32>,
        %get3A_204 = vector.shape_cast %get3A_203 : vector<1x16xf32> to vector<16xf32>
        %mul3A_205 = arith.constant 8.000000e+00 : f32
        %mul3A_206 = vector.broadcast %mul3A_205 : f32 to vector<16xf32>
        %mul3A_207 = arith.mulf %get3A_204, %mul3A_206 : vector<16xf32>
        %swap3A_208 = arith.index_cast %add3A_190 : i32 to index
        %swap3A_209 = arith.constant 16 : index
        %swap3A_210 = tpu.vector_load %arg11[%swap3A_208, %swap3A_209] {strides = array<i32>} : memref<200x128xf32, #tpu.memory_space<vmem>>, vector<1x16xf32>,
        %swap3A_211 = vector.shape_cast %swap3A_210 : vector<1x16xf32> to vector<16xf32>
        %swap3A_212 = vector.shape_cast %mul3A_207 : vector<16xf32> to vector<1x16xf32>
        tpu.vector_store %arg11[%swap3A_208, %swap3A_209], %swap3A_212 {strides = array<i32>} : memref<200x128xf32, #tpu.memory_space<vmem>>, vector<1x16xf32>,
        %get3A_213 = arith.index_cast %add3A_190 : i32 to index
        %get3A_214 = arith.constant 32 : index
        %get3A_215 = tpu.vector_load %arg11[%get3A_213, %get3A_214] {strides = array<i32>} : memref<200x128xf32, #tpu.memory_space<vmem>>, vector<1x16xf32>,
        %get3A_216 = vector.shape_cast %get3A_215 : vector<1x16xf32> to vector<16xf32>
        %mul3A_217 = arith.constant 8.000000e+00 : f32
        %mul3A_218 = vector.broadcast %mul3A_217 : f32 to vector<16xf32>
        %mul3A_219 = arith.mulf %get3A_216, %mul3A_218 : vector<16xf32>
        %swap3A_220 = arith.index_cast %add3A_190 : i32 to index
        %swap3A_221 = arith.constant 32 : index
        %swap3A_222 = tpu.vector_load %arg11[%swap3A_220, %swap3A_221] {strides = array<i32>} : memref<200x128xf32, #tpu.memory_space<vmem>>, vector<1x16xf32>,
        %swap3A_223 = vector.shape_cast %swap3A_222 : vector<1x16xf32> to vector<16xf32>
        %swap3A_224 = vector.shape_cast %mul3A_219 : vector<16xf32> to vector<1x16xf32>
        tpu.vector_store %arg11[%swap3A_220, %swap3A_221], %swap3A_224 {strides = array<i32>} : memref<200x128xf32, #tpu.memory_space<vmem>>, vector<1x16xf32>,
        %get3A_225 = arith.index_cast %add3A_190 : i32 to index
        %get3A_226 = arith.constant 48 : index
        %get3A_227 = tpu.vector_load %arg11[%get3A_225, %get3A_226] {strides = array<i32>} : memref<200x128xf32, #tpu.memory_space<vmem>>, vector<1x16xf32>,
        %get3A_228 = vector.shape_cast %get3A_227 : vector<1x16xf32> to vector<16xf32>
        %mul3A_229 = arith.constant 8.000000e+00 : f32
        %mul3A_230 = vector.broadcast %mul3A_229 : f32 to vector<16xf32>
        %mul3A_231 = arith.mulf %get3A_228, %mul3A_230 : vector<16xf32>
        %swap3A_232 = arith.index_cast %add3A_190 : i32 to index
        %swap3A_233 = arith.constant 48 : index
        %swap3A_234 = tpu.vector_load %arg11[%swap3A_232, %swap3A_233] {strides = array<i32>} : memref<200x128xf32, #tpu.memory_space<vmem>>, vector<1x16xf32>,
        %swap3A_235 = vector.shape_cast %swap3A_234 : vector<1x16xf32> to vector<16xf32>
        %swap3A_236 = vector.shape_cast %mul3A_231 : vector<16xf32> to vector<1x16xf32>
        tpu.vector_store %arg11[%swap3A_232, %swap3A_233], %swap3A_236 {strides = array<i32>} : memref<200x128xf32, #tpu.memory_space<vmem>>, vector<1x16xf32>,
        %scan3A_237 = arith.constant 1 : i32
        %scan3A_238 = arith.addi %scan3A_186, %scan3A_237 : i32
        %mul3A_239 = arith.constant 1 : i32
        %mul3A_240 = arith.muli %scan3A_238, %mul3A_239 : i32
        %add3A_241 = arith.constant 0 : i32
        %add3A_242 = arith.addi %add3A_241, %mul3A_240 : i32
        %get3A_243 = arith.index_cast %add3A_242 : i32 to index
        %get3A_244 = arith.constant 0 : index
        %get3A_245 = tpu.vector_load %arg11[%get3A_243, %get3A_244] {strides = array<i32>} : memref<200x128xf32, #tpu.memory_space<vmem>>, vector<1x16xf32>,
        %get3A_246 = vector.shape_cast %get3A_245 : vector<1x16xf32> to vector<16xf32>
        %mul3A_247 = arith.constant 8.000000e+00 : f32
        %mul3A_248 = vector.broadcast %mul3A_247 : f32 to vector<16xf32>
        %mul3A_249 = arith.mulf %get3A_246, %mul3A_248 : vector<16xf32>
        %swap3A_250 = arith.index_cast %add3A_242 : i32 to index
        %swap3A_251 = arith.constant 0 : index
        %swap3A_252 = tpu.vector_load %arg11[%swap3A_250, %swap3A_251] {strides = array<i32>} : memref<200x128xf32, #tpu.memory_space<vmem>>, vector<1x16xf32>,
        %swap3A_253 = vector.shape_cast %swap3A_252 : vector<1x16xf32> to vector<16xf32>
        %swap3A_254 = vector.shape_cast %mul3A_249 : vector<16xf32> to vector<1x16xf32>
        tpu.vector_store %arg11[%swap3A_250, %swap3A_251], %swap3A_254 {strides = array<i32>} : memref<200x128xf32, #tpu.memory_space<vmem>>, vector<1x16xf32>,
        %get3A_255 = arith.index_cast %add3A_242 : i32 to index
        %get3A_256 = arith.constant 16 : index
        %get3A_257 = tpu.vector_load %arg11[%get3A_255, %get3A_256] {strides = array<i32>} : memref<200x128xf32, #tpu.memory_space<vmem>>, vector<1x16xf32>,
        %get3A_258 = vector.shape_cast %get3A_257 : vector<1x16xf32> to vector<16xf32>
        %mul3A_259 = arith.constant 8.000000e+00 : f32
        %mul3A_260 = vector.broadcast %mul3A_259 : f32 to vector<16xf32>
        %mul3A_261 = arith.mulf %get3A_258, %mul3A_260 : vector<16xf32>
        %swap3A_262 = arith.index_cast %add3A_242 : i32 to index
        %swap3A_263 = arith.constant 16 : index
        %swap3A_264 = tpu.vector_load %arg11[%swap3A_262, %swap3A_263] {strides = array<i32>} : memref<200x128xf32, #tpu.memory_space<vmem>>, vector<1x16xf32>,
        %swap3A_265 = vector.shape_cast %swap3A_264 : vector<1x16xf32> to vector<16xf32>
        %swap3A_266 = vector.shape_cast %mul3A_261 : vector<16xf32> to vector<1x16xf32>
        tpu.vector_store %arg11[%swap3A_262, %swap3A_263], %swap3A_266 {strides = array<i32>} : memref<200x128xf32, #tpu.memory_space<vmem>>, vector<1x16xf32>,
        %get3A_267 = arith.index_cast %add3A_242 : i32 to index
        %get3A_268 = arith.constant 32 : index
        %get3A_269 = tpu.vector_load %arg11[%get3A_267, %get3A_268] {strides = array<i32>} : memref<200x128xf32, #tpu.memory_space<vmem>>, vector<1x16xf32>,
        %get3A_270 = vector.shape_cast %get3A_269 : vector<1x16xf32> to vector<16xf32>
        %mul3A_271 = arith.constant 8.000000e+00 : f32
        %mul3A_272 = vector.broadcast %mul3A_271 : f32 to vector<16xf32>
        %mul3A_273 = arith.mulf %get3A_270, %mul3A_272 : vector<16xf32>
        %swap3A_274 = arith.index_cast %add3A_242 : i32 to index
        %swap3A_275 = arith.constant 32 : index
        %swap3A_276 = tpu.vector_load %arg11[%swap3A_274, %swap3A_275] {strides = array<i32>} : memref<200x128xf32, #tpu.memory_space<vmem>>, vector<1x16xf32>,
        %swap3A_277 = vector.shape_cast %swap3A_276 : vector<1x16xf32> to vector<16xf32>
        %swap3A_278 = vector.shape_cast %mul3A_273 : vector<16xf32> to vector<1x16xf32>
        tpu.vector_store %arg11[%swap3A_274, %swap3A_275], %swap3A_278 {strides = array<i32>} : memref<200x128xf32, #tpu.memory_space<vmem>>, vector<1x16xf32>,
        %get3A_279 = arith.index_cast %add3A_242 : i32 to index
        %get3A_280 = arith.constant 48 : index
        %get3A_281 = tpu.vector_load %arg11[%get3A_279, %get3A_280] {strides = array<i32>} : memref<200x128xf32, #tpu.memory_space<vmem>>, vector<1x16xf32>,
        %get3A_282 = vector.shape_cast %get3A_281 : vector<1x16xf32> to vector<16xf32>
        %mul3A_283 = arith.constant 8.000000e+00 : f32
        %mul3A_284 = vector.broadcast %mul3A_283 : f32 to vector<16xf32>
        %mul3A_285 = arith.mulf %get3A_282, %mul3A_284 : vector<16xf32>
        %swap3A_286 = arith.index_cast %add3A_242 : i32 to index
        %swap3A_287 = arith.constant 48 : index
        %swap3A_288 = tpu.vector_load %arg11[%swap3A_286, %swap3A_287] {strides = array<i32>} : memref<200x128xf32, #tpu.memory_space<vmem>>, vector<1x16xf32>,
        %swap3A_289 = vector.shape_cast %swap3A_288 : vector<1x16xf32> to vector<16xf32>
        %swap3A_290 = vector.shape_cast %mul3A_285 : vector<16xf32> to vector<1x16xf32>
        tpu.vector_store %arg11[%swap3A_286, %swap3A_287], %swap3A_290 {strides = array<i32>} : memref<200x128xf32, #tpu.memory_space<vmem>>, vector<1x16xf32>,
        %scan3A_291 = arith.constant 2 : i32
        %scan3A_292 = arith.addi %scan3A_186, %scan3A_291 : i32
        %mul3A_293 = arith.constant 1 : i32
        %mul3A_294 = arith.muli %scan3A_292, %mul3A_293 : i32
        %add3A_295 = arith.constant 0 : i32
        %add3A_296 = arith.addi %add3A_295, %mul3A_294 : i32
        %get3A_297 = arith.index_cast %add3A_296 : i32 to index
        %get3A_298 = arith.constant 0 : index
        %get3A_299 = tpu.vector_load %arg11[%get3A_297, %get3A_298] {strides = array<i32>} : memref<200x128xf32, #tpu.memory_space<vmem>>, vector<1x16xf32>,
        %get3A_300 = vector.shape_cast %get3A_299 : vector<1x16xf32> to vector<16xf32>
        %mul3A_301 = arith.constant 8.000000e+00 : f32
        %mul3A_302 = vector.broadcast %mul3A_301 : f32 to vector<16xf32>
        %mul3A_303 = arith.mulf %get3A_300, %mul3A_302 : vector<16xf32>
        %swap3A_304 = arith.index_cast %add3A_296 : i32 to index
        %swap3A_305 = arith.constant 0 : index
        %swap3A_306 = tpu.vector_load %arg11[%swap3A_304, %swap3A_305] {strides = array<i32>} : memref<200x128xf32, #tpu.memory_space<vmem>>, vector<1x16xf32>,
        %swap3A_307 = vector.shape_cast %swap3A_306 : vector<1x16xf32> to vector<16xf32>
        %swap3A_308 = vector.shape_cast %mul3A_303 : vector<16xf32> to vector<1x16xf32>
        tpu.vector_store %arg11[%swap3A_304, %swap3A_305], %swap3A_308 {strides = array<i32>} : memref<200x128xf32, #tpu.memory_space<vmem>>, vector<1x16xf32>,
        %get3A_309 = arith.index_cast %add3A_296 : i32 to index
        %get3A_310 = arith.constant 16 : index
        %get3A_311 = tpu.vector_load %arg11[%get3A_309, %get3A_310] {strides = array<i32>} : memref<200x128xf32, #tpu.memory_space<vmem>>, vector<1x16xf32>,
        %get3A_312 = vector.shape_cast %get3A_311 : vector<1x16xf32> to vector<16xf32>
        %mul3A_313 = arith.constant 8.000000e+00 : f32
        %mul3A_314 = vector.broadcast %mul3A_313 : f32 to vector<16xf32>
        %mul3A_315 = arith.mulf %get3A_312, %mul3A_314 : vector<16xf32>
        %swap3A_316 = arith.index_cast %add3A_296 : i32 to index
        %swap3A_317 = arith.constant 16 : index
        %swap3A_318 = tpu.vector_load %arg11[%swap3A_316, %swap3A_317] {strides = array<i32>} : memref<200x128xf32, #tpu.memory_space<vmem>>, vector<1x16xf32>,
        %swap3A_319 = vector.shape_cast %swap3A_318 : vector<1x16xf32> to vector<16xf32>
        %swap3A_320 = vector.shape_cast %mul3A_315 : vector<16xf32> to vector<1x16xf32>
        tpu.vector_store %arg11[%swap3A_316, %swap3A_317], %swap3A_320 {strides = array<i32>} : memref<200x128xf32, #tpu.memory_space<vmem>>, vector<1x16xf32>,
        %get3A_321 = arith.index_cast %add3A_296 : i32 to index
        %get3A_322 = arith.constant 32 : index
        %get3A_323 = tpu.vector_load %arg11[%get3A_321, %get3A_322] {strides = array<i32>} : memref<200x128xf32, #tpu.memory_space<vmem>>, vector<1x16xf32>,
        %get3A_324 = vector.shape_cast %get3A_323 : vector<1x16xf32> to vector<16xf32>
        %mul3A_325 = arith.constant 8.000000e+00 : f32
        %mul3A_326 = vector.broadcast %mul3A_325 : f32 to vector<16xf32>
        %mul3A_327 = arith.mulf %get3A_324, %mul3A_326 : vector<16xf32>
        %swap3A_328 = arith.index_cast %add3A_296 : i32 to index
        %swap3A_329 = arith.constant 32 : index
        %swap3A_330 = tpu.vector_load %arg11[%swap3A_328, %swap3A_329] {strides = array<i32>} : memref<200x128xf32, #tpu.memory_space<vmem>>, vector<1x16xf32>,
        %swap3A_331 = vector.shape_cast %swap3A_330 : vector<1x16xf32> to vector<16xf32>
        %swap3A_332 = vector.shape_cast %mul3A_327 : vector<16xf32> to vector<1x16xf32>
        tpu.vector_store %arg11[%swap3A_328, %swap3A_329], %swap3A_332 {strides = array<i32>} : memref<200x128xf32, #tpu.memory_space<vmem>>, vector<1x16xf32>,
        %get3A_333 = arith.index_cast %add3A_296 : i32 to index
        %get3A_334 = arith.constant 48 : index
        %get3A_335 = tpu.vector_load %arg11[%get3A_333, %get3A_334] {strides = array<i32>} : memref<200x128xf32, #tpu.memory_space<vmem>>, vector<1x16xf32>,
        %get3A_336 = vector.shape_cast %get3A_335 : vector<1x16xf32> to vector<16xf32>
        %mul3A_337 = arith.constant 8.000000e+00 : f32
        %mul3A_338 = vector.broadcast %mul3A_337 : f32 to vector<16xf32>
        %mul3A_339 = arith.mulf %get3A_336, %mul3A_338 : vector<16xf32>
        %swap3A_340 = arith.index_cast %add3A_296 : i32 to index
        %swap3A_341 = arith.constant 48 : index
        %swap3A_342 = tpu.vector_load %arg11[%swap3A_340, %swap3A_341] {strides = array<i32>} : memref<200x128xf32, #tpu.memory_space<vmem>>, vector<1x16xf32>,
        %swap3A_343 = vector.shape_cast %swap3A_342 : vector<1x16xf32> to vector<16xf32>
        %swap3A_344 = vector.shape_cast %mul3A_339 : vector<16xf32> to vector<1x16xf32>
        tpu.vector_store %arg11[%swap3A_340, %swap3A_341], %swap3A_344 {strides = array<i32>} : memref<200x128xf32, #tpu.memory_space<vmem>>, vector<1x16xf32>,
        %scan3A_345 = arith.constant 3 : i32
        %scan3A_346 = arith.addi %scan3A_186, %scan3A_345 : i32
        %mul3A_347 = arith.constant 1 : i32
        %mul3A_348 = arith.muli %scan3A_346, %mul3A_347 : i32
        %add3A_349 = arith.constant 0 : i32
        %add3A_350 = arith.addi %add3A_349, %mul3A_348 : i32
        %get3A_351 = arith.index_cast %add3A_350 : i32 to index
        %get3A_352 = arith.constant 0 : index
        %get3A_353 = tpu.vector_load %arg11[%get3A_351, %get3A_352] {strides = array<i32>} : memref<200x128xf32, #tpu.memory_space<vmem>>, vector<1x16xf32>,
        %get3A_354 = vector.shape_cast %get3A_353 : vector<1x16xf32> to vector<16xf32>
        %mul3A_355 = arith.constant 8.000000e+00 : f32
        %mul3A_356 = vector.broadcast %mul3A_355 : f32 to vector<16xf32>
        %mul3A_357 = arith.mulf %get3A_354, %mul3A_356 : vector<16xf32>
        %swap3A_358 = arith.index_cast %add3A_350 : i32 to index
        %swap3A_359 = arith.constant 0 : index
        %swap3A_360 = tpu.vector_load %arg11[%swap3A_358, %swap3A_359] {strides = array<i32>} : memref<200x128xf32, #tpu.memory_space<vmem>>, vector<1x16xf32>,
        %swap3A_361 = vector.shape_cast %swap3A_360 : vector<1x16xf32> to vector<16xf32>
        %swap3A_362 = vector.shape_cast %mul3A_357 : vector<16xf32> to vector<1x16xf32>
        tpu.vector_store %arg11[%swap3A_358, %swap3A_359], %swap3A_362 {strides = array<i32>} : memref<200x128xf32, #tpu.memory_space<vmem>>, vector<1x16xf32>,
        %get3A_363 = arith.index_cast %add3A_350 : i32 to index
        %get3A_364 = arith.constant 16 : index
        %get3A_365 = tpu.vector_load %arg11[%get3A_363, %get3A_364] {strides = array<i32>} : memref<200x128xf32, #tpu.memory_space<vmem>>, vector<1x16xf32>,
        %get3A_366 = vector.shape_cast %get3A_365 : vector<1x16xf32> to vector<16xf32>
        %mul3A_367 = arith.constant 8.000000e+00 : f32
        %mul3A_368 = vector.broadcast %mul3A_367 : f32 to vector<16xf32>
        %mul3A_369 = arith.mulf %get3A_366, %mul3A_368 : vector<16xf32>
        %swap3A_370 = arith.index_cast %add3A_350 : i32 to index
        %swap3A_371 = arith.constant 16 : index
        %swap3A_372 = tpu.vector_load %arg11[%swap3A_370, %swap3A_371] {strides = array<i32>} : memref<200x128xf32, #tpu.memory_space<vmem>>, vector<1x16xf32>,
        %swap3A_373 = vector.shape_cast %swap3A_372 : vector<1x16xf32> to vector<16xf32>
        %swap3A_374 = vector.shape_cast %mul3A_369 : vector<16xf32> to vector<1x16xf32>
        tpu.vector_store %arg11[%swap3A_370, %swap3A_371], %swap3A_374 {strides = array<i32>} : memref<200x128xf32, #tpu.memory_space<vmem>>, vector<1x16xf32>,
        %get3A_375 = arith.index_cast %add3A_350 : i32 to index
        %get3A_376 = arith.constant 32 : index
        %get3A_377 = tpu.vector_load %arg11[%get3A_375, %get3A_376] {strides = array<i32>} : memref<200x128xf32, #tpu.memory_space<vmem>>, vector<1x16xf32>,
        %get3A_378 = vector.shape_cast %get3A_377 : vector<1x16xf32> to vector<16xf32>
        %mul3A_379 = arith.constant 8.000000e+00 : f32
        %mul3A_380 = vector.broadcast %mul3A_379 : f32 to vector<16xf32>
        %mul3A_381 = arith.mulf %get3A_378, %mul3A_380 : vector<16xf32>
        %swap3A_382 = arith.index_cast %add3A_350 : i32 to index
        %swap3A_383 = arith.constant 32 : index
        %swap3A_384 = tpu.vector_load %arg11[%swap3A_382, %swap3A_383] {strides = array<i32>} : memref<200x128xf32, #tpu.memory_space<vmem>>, vector<1x16xf32>,
        %swap3A_385 = vector.shape_cast %swap3A_384 : vector<1x16xf32> to vector<16xf32>
        %swap3A_386 = vector.shape_cast %mul3A_381 : vector<16xf32> to vector<1x16xf32>
        tpu.vector_store %arg11[%swap3A_382, %swap3A_383], %swap3A_386 {strides = array<i32>} : memref<200x128xf32, #tpu.memory_space<vmem>>, vector<1x16xf32>,
        %get3A_387 = arith.index_cast %add3A_350 : i32 to index
        %get3A_388 = arith.constant 48 : index
        %get3A_389 = tpu.vector_load %arg11[%get3A_387, %get3A_388] {strides = array<i32>} : memref<200x128xf32, #tpu.memory_space<vmem>>, vector<1x16xf32>,
        %get3A_390 = vector.shape_cast %get3A_389 : vector<1x16xf32> to vector<16xf32>
        %mul3A_391 = arith.constant 8.000000e+00 : f32
        %mul3A_392 = vector.broadcast %mul3A_391 : f32 to vector<16xf32>
        %mul3A_393 = arith.mulf %get3A_390, %mul3A_392 : vector<16xf32>
        %swap3A_394 = arith.index_cast %add3A_350 : i32 to index
        %swap3A_395 = arith.constant 48 : index
        %swap3A_396 = tpu.vector_load %arg11[%swap3A_394, %swap3A_395] {strides = array<i32>} : memref<200x128xf32, #tpu.memory_space<vmem>>, vector<1x16xf32>,
        %swap3A_397 = vector.shape_cast %swap3A_396 : vector<1x16xf32> to vector<16xf32>
        %swap3A_398 = vector.shape_cast %mul3A_393 : vector<16xf32> to vector<1x16xf32>
        tpu.vector_store %arg11[%swap3A_394, %swap3A_395], %swap3A_398 {strides = array<i32>} : memref<200x128xf32, #tpu.memory_space<vmem>>, vector<1x16xf32>,
      }
      %scan3A_143 = arith.constant 200 : i32
      %mul3A_144 = arith.constant 200 : i32
      %mul3A_145 = arith.muli %add3A_123, %mul3A_144 : i32
      %add3A_146 = arith.addi %mul3A_2, %mul3A_145 : i32
      %dma_start3A_147 = arith.constant 2 : i32
      %dma_start3A_148 = arith.constant 0 : i32
      %dma_start3A_149 = tpu.memref_slice %arg4[%add3A_146, %dma_start3A_148] : memref<819200x128xf32, #tpu.memory_space<hbm>> -> memref<200x128xf32, #tpu.memory_space<hbm>>
      %dma_start3A_150 = tpu.memref_slice %arg14[%dma_start3A_147] : memref<4x!tpu.dma_semaphore, #tpu.memory_space<semaphore_mem>> -> memref<1x!tpu.dma_semaphore, #tpu.memory_space<semaphore_mem>>
      %dma_start3A_151 = tpu.memref_squeeze %dma_start3A_150 : memref<1x!tpu.dma_semaphore, #tpu.memory_space<semaphore_mem>> -> memref<!tpu.dma_semaphore, #tpu.memory_space<semaphore_mem>>
      %dma_start3A_152 = arith.constant 0 : i32
      %dma_start3A_153 = tpu.memref_slice %arg4[%add3A_146, %dma_start3A_152] : memref<819200x128xf32, #tpu.memory_space<hbm>> -> memref<200x128xf32, #tpu.memory_space<hbm>>
      tpu.enqueue_dma source(%arg11 : memref<200x128xf32, #tpu.memory_space<vmem>>) target(%dma_start3A_153 : memref<200x128xf32, #tpu.memory_space<hbm>>) target_semaphore(%dma_start3A_151 : memref<!tpu.dma_semaphore, #tpu.memory_space<semaphore_mem>>)
      %add3A_154 = arith.constant 3 : i32
      %add3A_155 = arith.addi %add3A_61, %add3A_154 : i32
      %add3A_156 = arith.constant 4 : i32
      %add3A_157 = arith.addi %add3A_155, %add3A_156 : i32
      %sub3A_158 = arith.constant 1 : i32
      %sub3A_159 = arith.subi %add3A_157, %sub3A_158 : i32
      %lt3A_160 = arith.constant 128 : i32
      %lt3A_161 = arith.cmpi slt, %sub3A_159, %lt3A_160 : i32
      %convert_element_type3A_162 = arith.extui %lt3A_161 : i1 to i32
      %cond3A_163 = arith.constant 0 : i32
      %cond3A_164 = arith.cmpi ne, %convert_element_type3A_162, %cond3A_163 : i32
      scf.if %cond3A_164 {
        %mul3A_186 = arith.constant 200 : i32
        %mul3A_187 = arith.muli %sub3A_159, %mul3A_186 : i32
        %add3A_188 = arith.addi %mul3A_2, %mul3A_187 : i32
        "tpu.region"() ({
          %run_scoped3A = tpu.sem_alloc : memref<!tpu.dma_semaphore, #tpu.memory_space<semaphore_mem>>
          %dma_start3A_199 = tpu.memref_slice %arg2[%add3A_188] : memref<819200xi32, #tpu.memory_space<hbm>> -> memref<200xi32, #tpu.memory_space<hbm>>
          %dma_start3A_200 = tpu.memref_slice %arg2[%add3A_188] : memref<819200xi32, #tpu.memory_space<hbm>> -> memref<200xi32, #tpu.memory_space<hbm>>
          tpu.enqueue_dma source(%dma_start3A_200 : memref<200xi32, #tpu.memory_space<hbm>>) target(%arg7 : memref<200xi32, #tpu.memory_space<vmem>>) target_semaphore(%run_scoped3A : memref<!tpu.dma_semaphore, #tpu.memory_space<semaphore_mem>>)
          %dma_wait3A_201 = tpu.memref_slice %arg2[%add3A_188] : memref<819200xi32, #tpu.memory_space<hbm>> -> memref<200xi32, #tpu.memory_space<hbm>>
          %dma_wait3A_202 = tpu.memref_slice %arg2[%add3A_188] : memref<819200xi32, #tpu.memory_space<hbm>> -> memref<200xi32, #tpu.memory_space<hbm>>
          tpu.wait_dma2 semaphore(%run_scoped3A : memref<!tpu.dma_semaphore, #tpu.memory_space<semaphore_mem>>) src(%dma_wait3A_202 : memref<200xi32, #tpu.memory_space<hbm>>) dst(%arg7 : memref<200xi32, #tpu.memory_space<vmem>>)
          tpu.yield
        }) : () -> ()
        %ge3A = arith.constant 1 : i32
        %ge3A_189 = arith.cmpi sge, %add3A_155, %ge3A : i32
        %convert_element_type3A_190 = arith.extui %ge3A_189 : i1 to i32
        %cond3A_191 = arith.constant 0 : i32
        %cond3A_192 = arith.cmpi ne, %convert_element_type3A_190, %cond3A_191 : i32
        scf.if %cond3A_192 {
          %dma_wait3A_199 = arith.constant 2 : i32
          %dma_wait3A_200 = arith.constant 0 : i32
          %dma_wait3A_201 = tpu.memref_slice %arg4[%mul3A_2, %dma_wait3A_200] : memref<819200x128xf32, #tpu.memory_space<hbm>> -> memref<200x128xf32, #tpu.memory_space<hbm>>
          %dma_wait3A_202 = tpu.memref_slice %arg14[%dma_wait3A_199] : memref<4x!tpu.dma_semaphore, #tpu.memory_space<semaphore_mem>> -> memref<1x!tpu.dma_semaphore, #tpu.memory_space<semaphore_mem>>
          %dma_wait3A_203 = tpu.memref_squeeze %dma_wait3A_202 : memref<1x!tpu.dma_semaphore, #tpu.memory_space<semaphore_mem>> -> memref<!tpu.dma_semaphore, #tpu.memory_space<semaphore_mem>>
          %dma_wait3A_204 = arith.constant 0 : i32
          %dma_wait3A_205 = tpu.memref_slice %arg4[%mul3A_2, %dma_wait3A_204] : memref<819200x128xf32, #tpu.memory_space<hbm>> -> memref<200x128xf32, #tpu.memory_space<hbm>>
          tpu.wait_dma2 semaphore(%dma_wait3A_203 : memref<!tpu.dma_semaphore, #tpu.memory_space<semaphore_mem>>) src(%arg11 : memref<200x128xf32, #tpu.memory_space<vmem>>) dst(%dma_wait3A_205 : memref<200x128xf32, #tpu.memory_space<hbm>>)
        } else {
        }
        %dma_start3A_193 = arith.constant 2 : i32
        %dma_start3A_194 = arith.constant 0 : i32
        %dma_start3A_195 = arith.constant 0 : i32
        %dma_start3A_196 = tpu.memref_slice %arg3[%dma_start3A_194, %dma_start3A_195] : memref<1000000x128xf32, #tpu.memory_space<hbm>> -> memref<1000000x128xf32, #tpu.memory_space<hbm>>
        %dma_start3A_197 = tpu.memref_slice %arg13[%dma_start3A_193] : memref<4x!tpu.dma_semaphore, #tpu.memory_space<semaphore_mem>> -> memref<1x!tpu.dma_semaphore, #tpu.memory_space<semaphore_mem>>
        %dma_start3A_198 = tpu.memref_squeeze %dma_start3A_197 : memref<1x!tpu.dma_semaphore, #tpu.memory_space<semaphore_mem>> -> memref<!tpu.dma_semaphore, #tpu.memory_space<semaphore_mem>>
        tpu.enqueue_indirect_dma source(%dma_start3A_196 : memref<1000000x128xf32, #tpu.memory_space<hbm>>) target(%arg11 : memref<200x128xf32, #tpu.memory_space<vmem>>) offsets(%arg7 : memref<200xi32, #tpu.memory_space<vmem>>) semaphore(%dma_start3A_198 : memref<!tpu.dma_semaphore, #tpu.memory_space<semaphore_mem>>)
      } else {
      }
      %dma_wait3A_165 = arith.constant 3 : i32
      %dma_wait3A_166 = arith.constant 0 : i32
      %dma_wait3A_167 = arith.constant 0 : i32
      %dma_wait3A_168 = tpu.memref_slice %arg3[%dma_wait3A_166, %dma_wait3A_167] : memref<1000000x128xf32, #tpu.memory_space<hbm>> -> memref<1000000x128xf32, #tpu.memory_space<hbm>>
      %dma_wait3A_169 = tpu.memref_slice %arg13[%dma_wait3A_165] : memref<4x!tpu.dma_semaphore, #tpu.memory_space<semaphore_mem>> -> memref<1x!tpu.dma_semaphore, #tpu.memory_space<semaphore_mem>>
      %dma_wait3A_170 = tpu.memref_squeeze %dma_wait3A_169 : memref<1x!tpu.dma_semaphore, #tpu.memory_space<semaphore_mem>> -> memref<!tpu.dma_semaphore, #tpu.memory_space<semaphore_mem>>
      tpu.wait_indirect_dma semaphore(%dma_wait3A_170 : memref<!tpu.dma_semaphore, #tpu.memory_space<semaphore_mem>>) src(%dma_wait3A_168 : memref<1000000x128xf32, #tpu.memory_space<hbm>>) dst(%arg12 : memref<200x128xf32, #tpu.memory_space<vmem>>)
      %scan3A_171 = arith.constant 0 : i32
      %scan3A_172 = arith.constant 200 : i32
      %scan3A_173 = arith.addi %scan3A_171, %scan3A_172 : i32
      %scan3A_174 = arith.constant 4 : i32
      scf.for %scan3A_186 = %scan3A_171 to %scan3A_173 step %scan3A_174  : i32 {
        %mul3A_187 = arith.constant 1 : i32
        %mul3A_188 = arith.muli %scan3A_186, %mul3A_187 : i32
        %add3A_189 = arith.constant 0 : i32
        %add3A_190 = arith.addi %add3A_189, %mul3A_188 : i32
        %get3A = arith.index_cast %add3A_190 : i32 to index
        %get3A_191 = arith.constant 0 : index
        %get3A_192 = tpu.vector_load %arg12[%get3A, %get3A_191] {strides = array<i32>} : memref<200x128xf32, #tpu.memory_space<vmem>>, vector<1x16xf32>,
        %get3A_193 = vector.shape_cast %get3A_192 : vector<1x16xf32> to vector<16xf32>
        %mul3A_194 = arith.constant 8.000000e+00 : f32
        %mul3A_195 = vector.broadcast %mul3A_194 : f32 to vector<16xf32>
        %mul3A_196 = arith.mulf %get3A_193, %mul3A_195 : vector<16xf32>
        %swap3A = arith.index_cast %add3A_190 : i32 to index
        %swap3A_197 = arith.constant 0 : index
        %swap3A_198 = tpu.vector_load %arg12[%swap3A, %swap3A_197] {strides = array<i32>} : memref<200x128xf32, #tpu.memory_space<vmem>>, vector<1x16xf32>,
        %swap3A_199 = vector.shape_cast %swap3A_198 : vector<1x16xf32> to vector<16xf32>
        %swap3A_200 = vector.shape_cast %mul3A_196 : vector<16xf32> to vector<1x16xf32>
        tpu.vector_store %arg12[%swap3A, %swap3A_197], %swap3A_200 {strides = array<i32>} : memref<200x128xf32, #tpu.memory_space<vmem>>, vector<1x16xf32>,
        %get3A_201 = arith.index_cast %add3A_190 : i32 to index
        %get3A_202 = arith.constant 16 : index
        %get3A_203 = tpu.vector_load %arg12[%get3A_201, %get3A_202] {strides = array<i32>} : memref<200x128xf32, #tpu.memory_space<vmem>>, vector<1x16xf32>,
        %get3A_204 = vector.shape_cast %get3A_203 : vector<1x16xf32> to vector<16xf32>
        %mul3A_205 = arith.constant 8.000000e+00 : f32
        %mul3A_206 = vector.broadcast %mul3A_205 : f32 to vector<16xf32>
        %mul3A_207 = arith.mulf %get3A_204, %mul3A_206 : vector<16xf32>
        %swap3A_208 = arith.index_cast %add3A_190 : i32 to index
        %swap3A_209 = arith.constant 16 : index
        %swap3A_210 = tpu.vector_load %arg12[%swap3A_208, %swap3A_209] {strides = array<i32>} : memref<200x128xf32, #tpu.memory_space<vmem>>, vector<1x16xf32>,
        %swap3A_211 = vector.shape_cast %swap3A_210 : vector<1x16xf32> to vector<16xf32>
        %swap3A_212 = vector.shape_cast %mul3A_207 : vector<16xf32> to vector<1x16xf32>
        tpu.vector_store %arg12[%swap3A_208, %swap3A_209], %swap3A_212 {strides = array<i32>} : memref<200x128xf32, #tpu.memory_space<vmem>>, vector<1x16xf32>,
        %get3A_213 = arith.index_cast %add3A_190 : i32 to index
        %get3A_214 = arith.constant 32 : index
        %get3A_215 = tpu.vector_load %arg12[%get3A_213, %get3A_214] {strides = array<i32>} : memref<200x128xf32, #tpu.memory_space<vmem>>, vector<1x16xf32>,
        %get3A_216 = vector.shape_cast %get3A_215 : vector<1x16xf32> to vector<16xf32>
        %mul3A_217 = arith.constant 8.000000e+00 : f32
        %mul3A_218 = vector.broadcast %mul3A_217 : f32 to vector<16xf32>
        %mul3A_219 = arith.mulf %get3A_216, %mul3A_218 : vector<16xf32>
        %swap3A_220 = arith.index_cast %add3A_190 : i32 to index
        %swap3A_221 = arith.constant 32 : index
        %swap3A_222 = tpu.vector_load %arg12[%swap3A_220, %swap3A_221] {strides = array<i32>} : memref<200x128xf32, #tpu.memory_space<vmem>>, vector<1x16xf32>,
        %swap3A_223 = vector.shape_cast %swap3A_222 : vector<1x16xf32> to vector<16xf32>
        %swap3A_224 = vector.shape_cast %mul3A_219 : vector<16xf32> to vector<1x16xf32>
        tpu.vector_store %arg12[%swap3A_220, %swap3A_221], %swap3A_224 {strides = array<i32>} : memref<200x128xf32, #tpu.memory_space<vmem>>, vector<1x16xf32>,
        %get3A_225 = arith.index_cast %add3A_190 : i32 to index
        %get3A_226 = arith.constant 48 : index
        %get3A_227 = tpu.vector_load %arg12[%get3A_225, %get3A_226] {strides = array<i32>} : memref<200x128xf32, #tpu.memory_space<vmem>>, vector<1x16xf32>,
        %get3A_228 = vector.shape_cast %get3A_227 : vector<1x16xf32> to vector<16xf32>
        %mul3A_229 = arith.constant 8.000000e+00 : f32
        %mul3A_230 = vector.broadcast %mul3A_229 : f32 to vector<16xf32>
        %mul3A_231 = arith.mulf %get3A_228, %mul3A_230 : vector<16xf32>
        %swap3A_232 = arith.index_cast %add3A_190 : i32 to index
        %swap3A_233 = arith.constant 48 : index
        %swap3A_234 = tpu.vector_load %arg12[%swap3A_232, %swap3A_233] {strides = array<i32>} : memref<200x128xf32, #tpu.memory_space<vmem>>, vector<1x16xf32>,
        %swap3A_235 = vector.shape_cast %swap3A_234 : vector<1x16xf32> to vector<16xf32>
        %swap3A_236 = vector.shape_cast %mul3A_231 : vector<16xf32> to vector<1x16xf32>
        tpu.vector_store %arg12[%swap3A_232, %swap3A_233], %swap3A_236 {strides = array<i32>} : memref<200x128xf32, #tpu.memory_space<vmem>>, vector<1x16xf32>,
        %scan3A_237 = arith.constant 1 : i32
        %scan3A_238 = arith.addi %scan3A_186, %scan3A_237 : i32
        %mul3A_239 = arith.constant 1 : i32
        %mul3A_240 = arith.muli %scan3A_238, %mul3A_239 : i32
        %add3A_241 = arith.constant 0 : i32
        %add3A_242 = arith.addi %add3A_241, %mul3A_240 : i32
        %get3A_243 = arith.index_cast %add3A_242 : i32 to index
        %get3A_244 = arith.constant 0 : index
        %get3A_245 = tpu.vector_load %arg12[%get3A_243, %get3A_244] {strides = array<i32>} : memref<200x128xf32, #tpu.memory_space<vmem>>, vector<1x16xf32>,
        %get3A_246 = vector.shape_cast %get3A_245 : vector<1x16xf32> to vector<16xf32>
        %mul3A_247 = arith.constant 8.000000e+00 : f32
        %mul3A_248 = vector.broadcast %mul3A_247 : f32 to vector<16xf32>
        %mul3A_249 = arith.mulf %get3A_246, %mul3A_248 : vector<16xf32>
        %swap3A_250 = arith.index_cast %add3A_242 : i32 to index
        %swap3A_251 = arith.constant 0 : index
        %swap3A_252 = tpu.vector_load %arg12[%swap3A_250, %swap3A_251] {strides = array<i32>} : memref<200x128xf32, #tpu.memory_space<vmem>>, vector<1x16xf32>,
        %swap3A_253 = vector.shape_cast %swap3A_252 : vector<1x16xf32> to vector<16xf32>
        %swap3A_254 = vector.shape_cast %mul3A_249 : vector<16xf32> to vector<1x16xf32>
        tpu.vector_store %arg12[%swap3A_250, %swap3A_251], %swap3A_254 {strides = array<i32>} : memref<200x128xf32, #tpu.memory_space<vmem>>, vector<1x16xf32>,
        %get3A_255 = arith.index_cast %add3A_242 : i32 to index
        %get3A_256 = arith.constant 16 : index
        %get3A_257 = tpu.vector_load %arg12[%get3A_255, %get3A_256] {strides = array<i32>} : memref<200x128xf32, #tpu.memory_space<vmem>>, vector<1x16xf32>,
        %get3A_258 = vector.shape_cast %get3A_257 : vector<1x16xf32> to vector<16xf32>
        %mul3A_259 = arith.constant 8.000000e+00 : f32
        %mul3A_260 = vector.broadcast %mul3A_259 : f32 to vector<16xf32>
        %mul3A_261 = arith.mulf %get3A_258, %mul3A_260 : vector<16xf32>
        %swap3A_262 = arith.index_cast %add3A_242 : i32 to index
        %swap3A_263 = arith.constant 16 : index
        %swap3A_264 = tpu.vector_load %arg12[%swap3A_262, %swap3A_263] {strides = array<i32>} : memref<200x128xf32, #tpu.memory_space<vmem>>, vector<1x16xf32>,
        %swap3A_265 = vector.shape_cast %swap3A_264 : vector<1x16xf32> to vector<16xf32>
        %swap3A_266 = vector.shape_cast %mul3A_261 : vector<16xf32> to vector<1x16xf32>
        tpu.vector_store %arg12[%swap3A_262, %swap3A_263], %swap3A_266 {strides = array<i32>} : memref<200x128xf32, #tpu.memory_space<vmem>>, vector<1x16xf32>,
        %get3A_267 = arith.index_cast %add3A_242 : i32 to index
        %get3A_268 = arith.constant 32 : index
        %get3A_269 = tpu.vector_load %arg12[%get3A_267, %get3A_268] {strides = array<i32>} : memref<200x128xf32, #tpu.memory_space<vmem>>, vector<1x16xf32>,
        %get3A_270 = vector.shape_cast %get3A_269 : vector<1x16xf32> to vector<16xf32>
        %mul3A_271 = arith.constant 8.000000e+00 : f32
        %mul3A_272 = vector.broadcast %mul3A_271 : f32 to vector<16xf32>
        %mul3A_273 = arith.mulf %get3A_270, %mul3A_272 : vector<16xf32>
        %swap3A_274 = arith.index_cast %add3A_242 : i32 to index
        %swap3A_275 = arith.constant 32 : index
        %swap3A_276 = tpu.vector_load %arg12[%swap3A_274, %swap3A_275] {strides = array<i32>} : memref<200x128xf32, #tpu.memory_space<vmem>>, vector<1x16xf32>,
        %swap3A_277 = vector.shape_cast %swap3A_276 : vector<1x16xf32> to vector<16xf32>
        %swap3A_278 = vector.shape_cast %mul3A_273 : vector<16xf32> to vector<1x16xf32>
        tpu.vector_store %arg12[%swap3A_274, %swap3A_275], %swap3A_278 {strides = array<i32>} : memref<200x128xf32, #tpu.memory_space<vmem>>, vector<1x16xf32>,
        %get3A_279 = arith.index_cast %add3A_242 : i32 to index
        %get3A_280 = arith.constant 48 : index
        %get3A_281 = tpu.vector_load %arg12[%get3A_279, %get3A_280] {strides = array<i32>} : memref<200x128xf32, #tpu.memory_space<vmem>>, vector<1x16xf32>,
        %get3A_282 = vector.shape_cast %get3A_281 : vector<1x16xf32> to vector<16xf32>
        %mul3A_283 = arith.constant 8.000000e+00 : f32
        %mul3A_284 = vector.broadcast %mul3A_283 : f32 to vector<16xf32>
        %mul3A_285 = arith.mulf %get3A_282, %mul3A_284 : vector<16xf32>
        %swap3A_286 = arith.index_cast %add3A_242 : i32 to index
        %swap3A_287 = arith.constant 48 : index
        %swap3A_288 = tpu.vector_load %arg12[%swap3A_286, %swap3A_287] {strides = array<i32>} : memref<200x128xf32, #tpu.memory_space<vmem>>, vector<1x16xf32>,
        %swap3A_289 = vector.shape_cast %swap3A_288 : vector<1x16xf32> to vector<16xf32>
        %swap3A_290 = vector.shape_cast %mul3A_285 : vector<16xf32> to vector<1x16xf32>
        tpu.vector_store %arg12[%swap3A_286, %swap3A_287], %swap3A_290 {strides = array<i32>} : memref<200x128xf32, #tpu.memory_space<vmem>>, vector<1x16xf32>,
        %scan3A_291 = arith.constant 2 : i32
        %scan3A_292 = arith.addi %scan3A_186, %scan3A_291 : i32
        %mul3A_293 = arith.constant 1 : i32
        %mul3A_294 = arith.muli %scan3A_292, %mul3A_293 : i32
        %add3A_295 = arith.constant 0 : i32
        %add3A_296 = arith.addi %add3A_295, %mul3A_294 : i32
        %get3A_297 = arith.index_cast %add3A_296 : i32 to index
        %get3A_298 = arith.constant 0 : index
        %get3A_299 = tpu.vector_load %arg12[%get3A_297, %get3A_298] {strides = array<i32>} : memref<200x128xf32, #tpu.memory_space<vmem>>, vector<1x16xf32>,
        %get3A_300 = vector.shape_cast %get3A_299 : vector<1x16xf32> to vector<16xf32>
        %mul3A_301 = arith.constant 8.000000e+00 : f32
        %mul3A_302 = vector.broadcast %mul3A_301 : f32 to vector<16xf32>
        %mul3A_303 = arith.mulf %get3A_300, %mul3A_302 : vector<16xf32>
        %swap3A_304 = arith.index_cast %add3A_296 : i32 to index
        %swap3A_305 = arith.constant 0 : index
        %swap3A_306 = tpu.vector_load %arg12[%swap3A_304, %swap3A_305] {strides = array<i32>} : memref<200x128xf32, #tpu.memory_space<vmem>>, vector<1x16xf32>,
        %swap3A_307 = vector.shape_cast %swap3A_306 : vector<1x16xf32> to vector<16xf32>
        %swap3A_308 = vector.shape_cast %mul3A_303 : vector<16xf32> to vector<1x16xf32>
        tpu.vector_store %arg12[%swap3A_304, %swap3A_305], %swap3A_308 {strides = array<i32>} : memref<200x128xf32, #tpu.memory_space<vmem>>, vector<1x16xf32>,
        %get3A_309 = arith.index_cast %add3A_296 : i32 to index
        %get3A_310 = arith.constant 16 : index
        %get3A_311 = tpu.vector_load %arg12[%get3A_309, %get3A_310] {strides = array<i32>} : memref<200x128xf32, #tpu.memory_space<vmem>>, vector<1x16xf32>,
        %get3A_312 = vector.shape_cast %get3A_311 : vector<1x16xf32> to vector<16xf32>
        %mul3A_313 = arith.constant 8.000000e+00 : f32
        %mul3A_314 = vector.broadcast %mul3A_313 : f32 to vector<16xf32>
        %mul3A_315 = arith.mulf %get3A_312, %mul3A_314 : vector<16xf32>
        %swap3A_316 = arith.index_cast %add3A_296 : i32 to index
        %swap3A_317 = arith.constant 16 : index
        %swap3A_318 = tpu.vector_load %arg12[%swap3A_316, %swap3A_317] {strides = array<i32>} : memref<200x128xf32, #tpu.memory_space<vmem>>, vector<1x16xf32>,
        %swap3A_319 = vector.shape_cast %swap3A_318 : vector<1x16xf32> to vector<16xf32>
        %swap3A_320 = vector.shape_cast %mul3A_315 : vector<16xf32> to vector<1x16xf32>
        tpu.vector_store %arg12[%swap3A_316, %swap3A_317], %swap3A_320 {strides = array<i32>} : memref<200x128xf32, #tpu.memory_space<vmem>>, vector<1x16xf32>,
        %get3A_321 = arith.index_cast %add3A_296 : i32 to index
        %get3A_322 = arith.constant 32 : index
        %get3A_323 = tpu.vector_load %arg12[%get3A_321, %get3A_322] {strides = array<i32>} : memref<200x128xf32, #tpu.memory_space<vmem>>, vector<1x16xf32>,
        %get3A_324 = vector.shape_cast %get3A_323 : vector<1x16xf32> to vector<16xf32>
        %mul3A_325 = arith.constant 8.000000e+00 : f32
        %mul3A_326 = vector.broadcast %mul3A_325 : f32 to vector<16xf32>
        %mul3A_327 = arith.mulf %get3A_324, %mul3A_326 : vector<16xf32>
        %swap3A_328 = arith.index_cast %add3A_296 : i32 to index
        %swap3A_329 = arith.constant 32 : index
        %swap3A_330 = tpu.vector_load %arg12[%swap3A_328, %swap3A_329] {strides = array<i32>} : memref<200x128xf32, #tpu.memory_space<vmem>>, vector<1x16xf32>,
        %swap3A_331 = vector.shape_cast %swap3A_330 : vector<1x16xf32> to vector<16xf32>
        %swap3A_332 = vector.shape_cast %mul3A_327 : vector<16xf32> to vector<1x16xf32>
        tpu.vector_store %arg12[%swap3A_328, %swap3A_329], %swap3A_332 {strides = array<i32>} : memref<200x128xf32, #tpu.memory_space<vmem>>, vector<1x16xf32>,
        %get3A_333 = arith.index_cast %add3A_296 : i32 to index
        %get3A_334 = arith.constant 48 : index
        %get3A_335 = tpu.vector_load %arg12[%get3A_333, %get3A_334] {strides = array<i32>} : memref<200x128xf32, #tpu.memory_space<vmem>>, vector<1x16xf32>,
        %get3A_336 = vector.shape_cast %get3A_335 : vector<1x16xf32> to vector<16xf32>
        %mul3A_337 = arith.constant 8.000000e+00 : f32
        %mul3A_338 = vector.broadcast %mul3A_337 : f32 to vector<16xf32>
        %mul3A_339 = arith.mulf %get3A_336, %mul3A_338 : vector<16xf32>
        %swap3A_340 = arith.index_cast %add3A_296 : i32 to index
        %swap3A_341 = arith.constant 48 : index
        %swap3A_342 = tpu.vector_load %arg12[%swap3A_340, %swap3A_341] {strides = array<i32>} : memref<200x128xf32, #tpu.memory_space<vmem>>, vector<1x16xf32>,
        %swap3A_343 = vector.shape_cast %swap3A_342 : vector<1x16xf32> to vector<16xf32>
        %swap3A_344 = vector.shape_cast %mul3A_339 : vector<16xf32> to vector<1x16xf32>
        tpu.vector_store %arg12[%swap3A_340, %swap3A_341], %swap3A_344 {strides = array<i32>} : memref<200x128xf32, #tpu.memory_space<vmem>>, vector<1x16xf32>,
        %scan3A_345 = arith.constant 3 : i32
        %scan3A_346 = arith.addi %scan3A_186, %scan3A_345 : i32
        %mul3A_347 = arith.constant 1 : i32
        %mul3A_348 = arith.muli %scan3A_346, %mul3A_347 : i32
        %add3A_349 = arith.constant 0 : i32
        %add3A_350 = arith.addi %add3A_349, %mul3A_348 : i32
        %get3A_351 = arith.index_cast %add3A_350 : i32 to index
        %get3A_352 = arith.constant 0 : index
        %get3A_353 = tpu.vector_load %arg12[%get3A_351, %get3A_352] {strides = array<i32>} : memref<200x128xf32, #tpu.memory_space<vmem>>, vector<1x16xf32>,
        %get3A_354 = vector.shape_cast %get3A_353 : vector<1x16xf32> to vector<16xf32>
        %mul3A_355 = arith.constant 8.000000e+00 : f32
        %mul3A_356 = vector.broadcast %mul3A_355 : f32 to vector<16xf32>
        %mul3A_357 = arith.mulf %get3A_354, %mul3A_356 : vector<16xf32>
        %swap3A_358 = arith.index_cast %add3A_350 : i32 to index
        %swap3A_359 = arith.constant 0 : index
        %swap3A_360 = tpu.vector_load %arg12[%swap3A_358, %swap3A_359] {strides = array<i32>} : memref<200x128xf32, #tpu.memory_space<vmem>>, vector<1x16xf32>,
        %swap3A_361 = vector.shape_cast %swap3A_360 : vector<1x16xf32> to vector<16xf32>
        %swap3A_362 = vector.shape_cast %mul3A_357 : vector<16xf32> to vector<1x16xf32>
        tpu.vector_store %arg12[%swap3A_358, %swap3A_359], %swap3A_362 {strides = array<i32>} : memref<200x128xf32, #tpu.memory_space<vmem>>, vector<1x16xf32>,
        %get3A_363 = arith.index_cast %add3A_350 : i32 to index
        %get3A_364 = arith.constant 16 : index
        %get3A_365 = tpu.vector_load %arg12[%get3A_363, %get3A_364] {strides = array<i32>} : memref<200x128xf32, #tpu.memory_space<vmem>>, vector<1x16xf32>,
        %get3A_366 = vector.shape_cast %get3A_365 : vector<1x16xf32> to vector<16xf32>
        %mul3A_367 = arith.constant 8.000000e+00 : f32
        %mul3A_368 = vector.broadcast %mul3A_367 : f32 to vector<16xf32>
        %mul3A_369 = arith.mulf %get3A_366, %mul3A_368 : vector<16xf32>
        %swap3A_370 = arith.index_cast %add3A_350 : i32 to index
        %swap3A_371 = arith.constant 16 : index
        %swap3A_372 = tpu.vector_load %arg12[%swap3A_370, %swap3A_371] {strides = array<i32>} : memref<200x128xf32, #tpu.memory_space<vmem>>, vector<1x16xf32>,
        %swap3A_373 = vector.shape_cast %swap3A_372 : vector<1x16xf32> to vector<16xf32>
        %swap3A_374 = vector.shape_cast %mul3A_369 : vector<16xf32> to vector<1x16xf32>
        tpu.vector_store %arg12[%swap3A_370, %swap3A_371], %swap3A_374 {strides = array<i32>} : memref<200x128xf32, #tpu.memory_space<vmem>>, vector<1x16xf32>,
        %get3A_375 = arith.index_cast %add3A_350 : i32 to index
        %get3A_376 = arith.constant 32 : index
        %get3A_377 = tpu.vector_load %arg12[%get3A_375, %get3A_376] {strides = array<i32>} : memref<200x128xf32, #tpu.memory_space<vmem>>, vector<1x16xf32>,
        %get3A_378 = vector.shape_cast %get3A_377 : vector<1x16xf32> to vector<16xf32>
        %mul3A_379 = arith.constant 8.000000e+00 : f32
        %mul3A_380 = vector.broadcast %mul3A_379 : f32 to vector<16xf32>
        %mul3A_381 = arith.mulf %get3A_378, %mul3A_380 : vector<16xf32>
        %swap3A_382 = arith.index_cast %add3A_350 : i32 to index
        %swap3A_383 = arith.constant 32 : index
        %swap3A_384 = tpu.vector_load %arg12[%swap3A_382, %swap3A_383] {strides = array<i32>} : memref<200x128xf32, #tpu.memory_space<vmem>>, vector<1x16xf32>,
        %swap3A_385 = vector.shape_cast %swap3A_384 : vector<1x16xf32> to vector<16xf32>
        %swap3A_386 = vector.shape_cast %mul3A_381 : vector<16xf32> to vector<1x16xf32>
        tpu.vector_store %arg12[%swap3A_382, %swap3A_383], %swap3A_386 {strides = array<i32>} : memref<200x128xf32, #tpu.memory_space<vmem>>, vector<1x16xf32>,
        %get3A_387 = arith.index_cast %add3A_350 : i32 to index
        %get3A_388 = arith.constant 48 : index
        %get3A_389 = tpu.vector_load %arg12[%get3A_387, %get3A_388] {strides = array<i32>} : memref<200x128xf32, #tpu.memory_space<vmem>>, vector<1x16xf32>,
        %get3A_390 = vector.shape_cast %get3A_389 : vector<1x16xf32> to vector<16xf32>
        %mul3A_391 = arith.constant 8.000000e+00 : f32
        %mul3A_392 = vector.broadcast %mul3A_391 : f32 to vector<16xf32>
        %mul3A_393 = arith.mulf %get3A_390, %mul3A_392 : vector<16xf32>
        %swap3A_394 = arith.index_cast %add3A_350 : i32 to index
        %swap3A_395 = arith.constant 48 : index
        %swap3A_396 = tpu.vector_load %arg12[%swap3A_394, %swap3A_395] {strides = array<i32>} : memref<200x128xf32, #tpu.memory_space<vmem>>, vector<1x16xf32>,
        %swap3A_397 = vector.shape_cast %swap3A_396 : vector<1x16xf32> to vector<16xf32>
        %swap3A_398 = vector.shape_cast %mul3A_393 : vector<16xf32> to vector<1x16xf32>
        tpu.vector_store %arg12[%swap3A_394, %swap3A_395], %swap3A_398 {strides = array<i32>} : memref<200x128xf32, #tpu.memory_space<vmem>>, vector<1x16xf32>,
      }
      %scan3A_175 = arith.constant 200 : i32
      %mul3A_176 = arith.constant 200 : i32
      %mul3A_177 = arith.muli %add3A_155, %mul3A_176 : i32
      %add3A_178 = arith.addi %mul3A_2, %mul3A_177 : i32
      %dma_start3A_179 = arith.constant 3 : i32
      %dma_start3A_180 = arith.constant 0 : i32
      %dma_start3A_181 = tpu.memref_slice %arg4[%add3A_178, %dma_start3A_180] : memref<819200x128xf32, #tpu.memory_space<hbm>> -> memref<200x128xf32, #tpu.memory_space<hbm>>
      %dma_start3A_182 = tpu.memref_slice %arg14[%dma_start3A_179] : memref<4x!tpu.dma_semaphore, #tpu.memory_space<semaphore_mem>> -> memref<1x!tpu.dma_semaphore, #tpu.memory_space<semaphore_mem>>
      %dma_start3A_183 = tpu.memref_squeeze %dma_start3A_182 : memref<1x!tpu.dma_semaphore, #tpu.memory_space<semaphore_mem>> -> memref<!tpu.dma_semaphore, #tpu.memory_space<semaphore_mem>>
      %dma_start3A_184 = arith.constant 0 : i32
      %dma_start3A_185 = tpu.memref_slice %arg4[%add3A_178, %dma_start3A_184] : memref<819200x128xf32, #tpu.memory_space<hbm>> -> memref<200x128xf32, #tpu.memory_space<hbm>>
      tpu.enqueue_dma source(%arg12 : memref<200x128xf32, #tpu.memory_space<vmem>>) target(%dma_start3A_185 : memref<200x128xf32, #tpu.memory_space<hbm>>) target_semaphore(%dma_start3A_183 : memref<!tpu.dma_semaphore, #tpu.memory_space<semaphore_mem>>)
    }
    %scan3A_29 = arith.constant 32 : i32
    %dma_wait3A = arith.constant 0 : i32
    %dma_wait3A_30 = arith.constant 0 : i32
    %dma_wait3A_31 = tpu.memref_slice %arg4[%mul3A_2, %dma_wait3A_30] : memref<819200x128xf32, #tpu.memory_space<hbm>> -> memref<200x128xf32, #tpu.memory_space<hbm>>
    %dma_wait3A_32 = tpu.memref_slice %arg14[%dma_wait3A] : memref<4x!tpu.dma_semaphore, #tpu.memory_space<semaphore_mem>> -> memref<1x!tpu.dma_semaphore, #tpu.memory_space<semaphore_mem>>
    %dma_wait3A_33 = tpu.memref_squeeze %dma_wait3A_32 : memref<1x!tpu.dma_semaphore, #tpu.memory_space<semaphore_mem>> -> memref<!tpu.dma_semaphore, #tpu.memory_space<semaphore_mem>>
    %dma_wait3A_34 = arith.constant 0 : i32
    %dma_wait3A_35 = tpu.memref_slice %arg4[%mul3A_2, %dma_wait3A_34] : memref<819200x128xf32, #tpu.memory_space<hbm>> -> memref<200x128xf32, #tpu.memory_space<hbm>>
    tpu.wait_dma2 semaphore(%dma_wait3A_33 : memref<!tpu.dma_semaphore, #tpu.memory_space<semaphore_mem>>) src(%arg9 : memref<200x128xf32, #tpu.memory_space<vmem>>) dst(%dma_wait3A_35 : memref<200x128xf32, #tpu.memory_space<hbm>>)
    %dma_wait3A_36 = arith.constant 1 : i32
    %dma_wait3A_37 = arith.constant 0 : i32
    %dma_wait3A_38 = tpu.memref_slice %arg4[%mul3A_2, %dma_wait3A_37] : memref<819200x128xf32, #tpu.memory_space<hbm>> -> memref<200x128xf32, #tpu.memory_space<hbm>>
    %dma_wait3A_39 = tpu.memref_slice %arg14[%dma_wait3A_36] : memref<4x!tpu.dma_semaphore, #tpu.memory_space<semaphore_mem>> -> memref<1x!tpu.dma_semaphore, #tpu.memory_space<semaphore_mem>>
    %dma_wait3A_40 = tpu.memref_squeeze %dma_wait3A_39 : memref<1x!tpu.dma_semaphore, #tpu.memory_space<semaphore_mem>> -> memref<!tpu.dma_semaphore, #tpu.memory_space<semaphore_mem>>
    %dma_wait3A_41 = arith.constant 0 : i32
    %dma_wait3A_42 = tpu.memref_slice %arg4[%mul3A_2, %dma_wait3A_41] : memref<819200x128xf32, #tpu.memory_space<hbm>> -> memref<200x128xf32, #tpu.memory_space<hbm>>
    tpu.wait_dma2 semaphore(%dma_wait3A_40 : memref<!tpu.dma_semaphore, #tpu.memory_space<semaphore_mem>>) src(%arg10 : memref<200x128xf32, #tpu.memory_space<vmem>>) dst(%dma_wait3A_42 : memref<200x128xf32, #tpu.memory_space<hbm>>)
    %dma_wait3A_43 = arith.constant 2 : i32
    %dma_wait3A_44 = arith.constant 0 : i32
    %dma_wait3A_45 = tpu.memref_slice %arg4[%mul3A_2, %dma_wait3A_44] : memref<819200x128xf32, #tpu.memory_space<hbm>> -> memref<200x128xf32, #tpu.memory_space<hbm>>
    %dma_wait3A_46 = tpu.memref_slice %arg14[%dma_wait3A_43] : memref<4x!tpu.dma_semaphore, #tpu.memory_space<semaphore_mem>> -> memref<1x!tpu.dma_semaphore, #tpu.memory_space<semaphore_mem>>
    %dma_wait3A_47 = tpu.memref_squeeze %dma_wait3A_46 : memref<1x!tpu.dma_semaphore, #tpu.memory_space<semaphore_mem>> -> memref<!tpu.dma_semaphore, #tpu.memory_space<semaphore_mem>>
    %dma_wait3A_48 = arith.constant 0 : i32
    %dma_wait3A_49 = tpu.memref_slice %arg4[%mul3A_2, %dma_wait3A_48] : memref<819200x128xf32, #tpu.memory_space<hbm>> -> memref<200x128xf32, #tpu.memory_space<hbm>>
    tpu.wait_dma2 semaphore(%dma_wait3A_47 : memref<!tpu.dma_semaphore, #tpu.memory_space<semaphore_mem>>) src(%arg11 : memref<200x128xf32, #tpu.memory_space<vmem>>) dst(%dma_wait3A_49 : memref<200x128xf32, #tpu.memory_space<hbm>>)
    %dma_wait3A_50 = arith.constant 3 : i32
    %dma_wait3A_51 = arith.constant 0 : i32
    %dma_wait3A_52 = tpu.memref_slice %arg4[%mul3A_2, %dma_wait3A_51] : memref<819200x128xf32, #tpu.memory_space<hbm>> -> memref<200x128xf32, #tpu.memory_space<hbm>>
    %dma_wait3A_53 = tpu.memref_slice %arg14[%dma_wait3A_50] : memref<4x!tpu.dma_semaphore, #tpu.memory_space<semaphore_mem>> -> memref<1x!tpu.dma_semaphore, #tpu.memory_space<semaphore_mem>>
    %dma_wait3A_54 = tpu.memref_squeeze %dma_wait3A_53 : memref<1x!tpu.dma_semaphore, #tpu.memory_space<semaphore_mem>> -> memref<!tpu.dma_semaphore, #tpu.memory_space<semaphore_mem>>
    %dma_wait3A_55 = arith.constant 0 : i32
    %dma_wait3A_56 = tpu.memref_slice %arg4[%mul3A_2, %dma_wait3A_55] : memref<819200x128xf32, #tpu.memory_space<hbm>> -> memref<200x128xf32, #tpu.memory_space<hbm>>
    tpu.wait_dma2 semaphore(%dma_wait3A_54 : memref<!tpu.dma_semaphore, #tpu.memory_space<semaphore_mem>>) src(%arg12 : memref<200x128xf32, #tpu.memory_space<vmem>>) dst(%dma_wait3A_56 : memref<200x128xf32, #tpu.memory_space<hbm>>)
    return
  }
}

</mosaic_0001>

<sc_bundles>
// kernel: kernel.3.cloned.1.call-start
scs
__scs_entry_jumppad:
0x0: {  	(pc) =	sbr.rel $0x88, $3  }
0x1: {  	(tag) =	ssettag $0x0;
	lr =	simm.s32 $0x1  }
0x2: {  	[smem:$0x3F9F] =	sst lr;
	_ =	strace $0xD0000000  }
0x3: {  	_ = 	snop  }
0x4: {  	_ = 	snop  }
0x5: {  	_ = 	snop  }
0x6: {  	_ = 	snop  }
0x7: {  	_ = 	snop  }
__scs_overlays_trampoline_lowered:
0x8: {  	[smem:$0x3FAE] =	sst s0  }
0x9: {  	[smem:$0x3FAF] =	sst s1  }
0xa: {  	[smem:$0x3FB0] =	sst s2  }
0xb: {  	[smem:$0x3FB1] =	sst s3  }
0xc: {  	[smem:$0x3FB2] =	sst s4  }
0xd: {  	[smem:$0x3FB3] =	sst s5  }
0xe: {  	[smem:$0x3FB4] =	sst s6  }
0xf: {  	[smem:$0x3FB5] =	sst s7  }
0x10: {  	[smem:$0x3FB6] =	sst s8  }
0x11: {  	[smem:$0x3FB7] =	sst s9;
	s0 =	simm.s32 @!p0 $0x0  }
0x12: {  	s1 =	sld [smem:$0x3F9D];
	s0 =	simm.s32 @p0 $0x1  }
0x13: {  	[smem:$0x3FB8] =	sst s0;
	s0 =	simm.s32 @!p1 $0x0  }
0x14: {  	s2 =	sld [smem:$0x3F9C];
	s0 =	simm.s32 @p1 $0x1  }
0x15: {  	[smem:$0x3FB9] =	sst s0;
	s0 =	simm.s32 @!p2 $0x0  }
0x16: {  	s3 =	sld [smem:$0x3FDB];
	s0 =	simm.s32 @p2 $0x1  }
0x17: {  	s4 =	simm.s32 $0x1BF5;
	[smem:$0x3FBB] =	sst s0  }
0x18: {  	s0 =	sld [smem:$0x3F9E];
	_ =	swait.ge [sflag:s4], $0x0  }
0x19: {  	s7 =	sld [smem:$0x3F9F]  }
0x1a: {  	s8 =	sadd.s32 $0xFFFFE003, lr  }
0x1b: {  	s9 =	sadd.s32 $0xFFFFFEF7, lr;
	s5 =	simm.s32 $0xFFFFFFFF;
	p2 =	slt.u32 s8, $0xFFFFF086  }
0x1c: {  	p1 =	slt.u32 s9, $0xF7A;
	s5 =	simm.s32 @!p2 $0x0  }
0x1d: {  	s5 =	simm.s32 @p1 $0x1;
	p0 =	seq.s32 s7, s2  }
0x1e: {  	s7 =	smul.u32 @!p0 $0xF7A, s2;
	p2 =	seq.s32 @!p0 s5, $0x0  }
0x1f: {  	s9 =	smul.u32 $0xF7A, s1;
	s8 =	simm.s32 @!p0 $0x1BF5;
	p2 =	por !p2, p0  }
0x20: {  	[sflag:s8] =	ssyncset.s32 @!p0 $0xFFFFF086;
	s6 =	sadd.s32 @!p0 s3, s7;
	s7 =	simm.s32 @!p0 $0x108  }
0x21: {  	s3 =	sadd.s32 s3, s9;
	s6 =	sadd.s32 @!p0 $0x88, s6;
	s7 =	simm.s32 @p2 $0x1082  }
0x22: {  	[simem:s7], [sflag:s8] =	dma.local @!p0 [hbm:s6], $0xF7A  }
0x23: {  	s9 =	sor.u32 $0xD0000000, s2;
	s6 =	simm.s32 $0x108;
	_ =	swait.ge @!p0 [sflag:s8], $0x0  }
0x24: {  	s3 =	sadd.s32 $0x88, s3;
	s6 =	simm.s32 @!p1 $0x1082;
	[sflag:s4] =	ssyncset.s32 $0xFFFFF086  }
0x25: {  	[simem:s6], [sflag:s4] =	dma.local [hbm:s3], $0xF7A  }
0x26: {  	[smem:$0x3F9F] =	sst s1;
	(tag) =	ssettag s2;
	_ =	strace s9  }
0x27: {  	s1 =	sld [smem:$0x3FAF]  }
0x28: {  	s2 =	sld [smem:$0x3FB0]  }
0x29: {  	s4 =	sld [smem:$0x3FB2]  }
0x2a: {  	p0 =	seq.s32 s5, $0x0;
	s5 =	sld [smem:$0x3FB3]  }
0x2b: {  	s6 =	sld [smem:$0x3FB4]  }
0x2c: {  	s7 =	sld [smem:$0x3FB5]  }
0x2d: {  	s3 =	simm.s32 $0x108;
	s8 =	sld [smem:$0x3FB6]  }
0x2e: {  	s3 =	simm.s32 @!p0 $0x1082;
	s9 =	sld [smem:$0x3FB7]  }
0x2f: {  	lr =	sadd.s32 s0, s3;
	s0 =	sld [smem:$0x3FAE]  }
0x30: {  	s3 =	sld [smem:$0x3FB1]  }
0x31: {  	[smem:$0x3FBA] =	sst s10  }
0x32: {  	s10 =	sld [smem:$0x3FB8];
	_ =	sdelay $0x3  }
0x33: {  	p0 =	seq.s32 s10, $0x1;
	s10 =	sld [smem:$0x3FBA];
	_ =	sdelay $0x3  }
0x34: {  	[smem:$0x3FBA] =	sst s10  }
0x35: {  	s10 =	sld [smem:$0x3FB9];
	_ =	sdelay $0x3  }
0x36: {  	p1 =	seq.s32 s10, $0x1;
	s10 =	sld [smem:$0x3FBA];
	_ =	sdelay $0x3  }
0x37: {  	[smem:$0x3FBA] =	sst s10  }
0x38: {  	s10 =	sld [smem:$0x3FBB]  }
0x39: {  	_ = 	snop;
	(pc) =	sbr.ind lr, $3  }
0x3a: {  	_ = 	snop  }
0x3b: {  	_ = 	snop  }
0x3c: {  	p2 =	seq.s32 s10, $0x1;
	s10 =	sld [smem:$0x3FBA]  }
0x3d: {  	_ =	shalt  }
0x3e: {  	_ =	shalt  }
0x3f: {  	_ =	shalt  }
0x40: {  	_ =	shalt  }
0x41: {  	_ =	shalt  }
0x42: {  	_ =	shalt  }
0x43: {  	_ =	shalt  }
0x44: {  	_ =	shalt  }
0x45: {  	_ =	shalt  }
0x46: {  	_ =	shalt  }
0x47: {  	_ =	shalt  }
0x48: {  	_ =	shalt  }
0x49: {  	_ =	shalt  }
0x4a: {  	_ =	shalt  }
0x4b: {  	_ =	shalt  }
0x4c: {  	_ =	shalt  }
0x4d: {  	_ =	shalt  }
0x4e: {  	_ =	shalt  }
0x4f: {  	_ =	shalt  }
0x50: {  	_ =	shalt  }
0x51: {  	_ =	shalt  }
0x52: {  	_ =	shalt  }
0x53: {  	_ =	shalt  }
0x54: {  	_ =	shalt  }
0x55: {  	_ =	shalt  }
0x56: {  	_ =	shalt  }
0x57: {  	_ =	shalt  }
0x58: {  	_ =	shalt  }
0x59: {  	_ =	shalt  }
0x5a: {  	_ =	shalt  }
0x5b: {  	_ =	shalt  }
0x5c: {  	_ =	shalt  }
0x5d: {  	_ =	shalt  }
0x5e: {  	_ =	shalt  }
0x5f: {  	_ =	shalt  }
0x60: {  	_ =	shalt  }
0x61: {  	_ =	shalt  }
0x62: {  	_ =	shalt  }
0x63: {  	_ =	shalt  }
0x64: {  	_ =	shalt  }
0x65: {  	_ =	shalt  }
0x66: {  	_ =	shalt  }
0x67: {  	_ =	shalt  }
0x68: {  	_ =	shalt  }
0x69: {  	_ =	shalt  }
0x6a: {  	_ =	shalt  }
0x6b: {  	_ =	shalt  }
0x6c: {  	_ =	shalt  }
0x6d: {  	_ =	shalt  }
0x6e: {  	_ =	shalt  }
0x6f: {  	_ =	shalt  }
0x70: {  	_ =	shalt  }
0x71: {  	_ =	shalt  }
0x72: {  	_ =	shalt  }
0x73: {  	_ =	shalt  }
0x74: {  	_ =	shalt  }
0x75: {  	_ =	shalt  }
0x76: {  	_ =	shalt  }
0x77: {  	_ =	shalt  }
0x78: {  	_ =	shalt  }
0x79: {  	_ =	shalt  }
0x7a: {  	_ =	shalt  }
0x7b: {  	_ =	shalt  }
0x7c: {  	_ =	shalt  }
0x7d: {  	_ =	shalt  }
0x7e: {  	_ =	shalt  }
0x7f: {  	_ =	shalt  }
0x80: {  	_ =	shalt  }
0x81: {  	_ =	shalt  }
0x82: {  	_ =	shalt  }
0x83: {  	_ =	shalt  }
0x84: {  	_ =	shalt  }
0x85: {  	_ =	shalt  }
0x86: {  	_ =	shalt  }
0x87: {  	_ =	shalt  }
.Lfunc_end0:
.L_simem_size_0:
called_computation.1_lowered:
.L_overlay_start_0:
0x88: {  	s2 =	sld [smem:$0x3FD9]  }
0x89: {  	s3 =	sld [smem:$0x3FFE];
	_ =	sdelay $0x1  }
0x8a: {  	s1 =	srdreg.scid  }
0x8b: {  	s0 =	sand.u32 $0x1, s1  }
0x8c: {  	s17 =	sshll.u32 s0, $0xA;
	s2 =	sadd.s32 s3, s2  }
0x8d: {  	s2 =	sadd.s32 s2, s17  }
0x8e: {  	[smem:$0x3FC6] =	sst s2  }
0x8f: {  	_ = 	snop  }
0x90: {  	s2 =	sld [smem:$0x3FD0];
	(tm) =	ssettm $0x1  }
0x91: {  	s18 =	sld [smem:$0x3FFB];
	_ =	sdelay $0x3  }
0x92: {  	_ =	strace s18  }
0x93: {  	s3 =	sld [smem:$0x3FFC];
	_ =	sdelay $0x3  }
0x94: {  	_ =	strace s3  }
0x95: {  	s3 =	sld [smem:$0x3FFD];
	_ =	sdelay $0x3  }
0x96: {  	_ =	strace s3  }
0x97: {  	_ =	strace $0x8FFFFFFF  }
0x98: {  	s19 =	sld [smem:$0x3FDB];
	_ =	sdelay $0x1  }
0x99: {  	s4 =	simm.s32 $_scs_section_size  }
0x9a: {  	s5 =	simm.s32 $_size__tile_overlayer_lowered;
	s6 =	simm.s32 $_tile_overlayer_lowered  }
0x9b: {  	s22 =	simm.s32 $0x1BFF;
	s21 =	sshll.u32 s6, $0x1;
	s3 =	sadd.s32 s4, s19  }
0x9c: {  	s7 =	simm.s32 $0x0;
	s20 =	sshll.u32 s5, $0x1;
	s5 =	sadd.s32 s21, s3  }
0x9d: {  	[timem:s7], [sflag:s22] =	dma.local [hbm:s5], s20  }
0x9e: {  	_ =	swait.ge [sflag:s22], s20  }
0x9f: {  	s4 =	ssub.s32 $0x0, s20;
	[sflag:s22] =	ssyncset.done $0x0  }
0xa0: {  	[sflag:s22] =	ssyncadd.s32 s4;
	_ =	sdelay $0x1  }
0xa1: {  	s23 =	simm.s32 $0x1B8B  }
0xa2: {  	_ =	swait.ge [sflag:s23], $0x1  }
0xa3: {  	[sflag:s23] =	ssyncset.done $0x0  }
0xa4: {  	s25 =	simm.s32 $0x1B8E;
	s24 =	sld [smem:$0x3FFE];
	[sflag:s23] =	ssyncadd.s32 $0xFFFFFFFF  }
0xa5: {  	s26 =	simm.s32 $execute0_lowered;
	[smem:$0x3FD2] =	sst s25  }
0xa6: {  	s5 =	sshll.u32 s26, $0x1;
	_ =	strace $0x80000046;
	[dreg:$0x1] =	wrdreg $0xFFFFFFFF  }
0xa7: {  	s28 =	simm.s32 $_size_execute0_lowered;
	s3 =	sadd.s32 s3, s5;
	[dreg:$0x0] =	wrdreg $0x0  }
0xa8: {  	s5 =	sshll.u32 s28, $0x1;
	[dreg:$0x2] =	wrdreg s3  }
0xa9: {  	[dreg:$0x3] =	wrdreg s5  }
0xaa: {  	[dreg:$0x4] =	wrdreg $0xC0  }
0xab: {  	_ =	task [dreg:s7], $0x5FFFF  }
0xac: {  	[dreg:$0x1] =	wrdreg $0xFFFFFFFF  }
0xad: {  	[dreg:$0x0] =	wrdreg $0x60  }
0xae: {  	[dreg:$0x2] =	wrdreg s2  }
0xaf: {  	[dreg:$0x3] =	wrdreg s24  }
0xb0: {  	[dreg:$0x4] =	wrdreg $0x9  }
0xb1: {  	_ =	task.clear_ibuf [dreg:s7], $0x5FFFF;
	_ =	strace $0x90000046  }
0xb2: {  	s29 =	simm.s32 $0x9;
	_ =	strace $0x80000048  }
0xb3: {  	_ =	swait.ge [sflag:s29], $0x1  }
0xb4: {  	[sflag:s29] =	ssyncadd.s32 $0xFFFFFFFF  }
0xb5: {  	_ =	strace $0x90000048  }
0xb6: {  	_ =	sfence  }
0xb7: {  	s30 =	sld [smem:$0x0];
	_ =	sdelay $0x2  }
0xb8: {  	s31 =	sshll.u32 s1, $0xD;
	s1 =	sshrl.u32 s1, $0x2  }
0xb9: {  	s3 =	sand.u32 $0x4000, s31;
	s1 =	sadd.s32 s1, s30  }
0xba: {  	s0 =	sor.u32 s3, s0;
	s1 =	sshll.u32 s1, $0x11  }
0xbb: {  	s0 =	sor.u32 s1, s0  }
0xbc: {  	s0 =	sadd.s32 $0x8F2B, s0  }
0xbd: {  	[sflag:s0] =	ssyncadd.remote.s32 $0x1  }
0xbe: {  	_ =	sfence.sel $0xFFFF  }
0xbf: {  	[dreg:$0x0] =	wrdreg $0xFFFFFFFF;
	(pc) =	sbr.abs _section_cstart, $3  }
0xc0: {  	[dreg:$0x1] =	wrdreg $0xFFFFFFFF  }
0xc1: {  	_ =	task.clear_ibuf [dreg:s7], $0x2FFFF;
	_ =	strace $0x9FFFFFFF  }
0xc2: {  	(tm) =	ssettm $0x7FFFFFFF  }
0xc3: {  	_ =	shalt  }
tec
execute0_lowered:
.L_overlay_start_1:
0x0: {  	(tag) =	ssettag $0x1  }
0x1: {  	s2 =	rddreg [dreg:$0x0]  }
0x2: {  	s0 =	srdreg.scid;
	s3 =	stileid.u32  }
0x3: {  	s1 =	rddreg [dreg:$0x1];
	s17 =	simm.s32 $0x9;
	s18 =	simm.s32 $0xC8  }
0x4: {  	s19 =	simm.s32 $0x400;
	s21 =	simm.s32 $0x6800;
	s23 =	simm.s32 $0xCC00  }
0x5: {  	s24 =	simm.s32 $0x300;
	s25 =	simm.s32 $0x13000;
	s28 =	simm.s32 $0x2  }
0x6: {  	s29 =	simm.s32 $0x3;
	s30 =	simm.s32 $0x4;
	s9 =	simm.s32 $0x0  }
0x7: {  	s0 =	sand.u32 $0x1, s0;
	s4 =	sshll.u32 s3, $0x1;
	s3 =	simm.s32 $0x0  }
0x8: {  	s5 =	sadd.s32 $0xF42E00, s1;
	s4 =	sor.u32 s0, s4;
	s0 =	ssub.s32 $0x2, s0  }
0x9: {  	[smem:$0x7FF] =	sst s3;
	s4 =	smul.u32 $0x6400, s4;
	s7 =	sshrl.u32 s0, $0x1  }
0xa: {  	s6 =	sadd.s32 $0xA00, s1;
	_ =	strace $0x80000047;
	s0 =	ssub.s32 s0, s7  }
0xb: {  	s8 =	sshrl.u32 s4, $0x3;
	s10 =	sor.u32 $0x258, s4;
	s11 =	sor.u32 $0x320, s4  }
0xc: {  	s12 =	sor.u32 $0xC8, s4;
	s13 =	sor.u32 $0x3E8, s4;
	s0 =	smax.u32 s0, $0x1  }
0xd: {  	s14 =	sor.u32 $0x190, s4;
	s26 =	sadd.s32 s2, s8;
	[dreg:$0x6] =	wrdreg s0  }
0xe: {  	s15 =	sadd.s32 $0x4B0, s4;
	s31 =	sadd.s32 $0x19, s26;
	[dreg:$0x3] =	wrdreg s26  }
0xf: {  	s0 =	simm.s32 $0x7;
	s1 =	sadd.s32 $0x32, s26;
	[dreg:$0x4] =	wrdreg s31  }
0x10: {  	s8 =	simm.s32 $0x8;
	s26 =	simm.s32 $0x1;
	[dreg:$0x5] =	wrdreg s1  }
.LBB2_1:
0x11: {  	s1 =	rddreg [dreg:$0x3]  }
0x12: {  	[tilespmem:s3], [sflag:$0x9] =	stream.linear.gather [hbm4b:s1+s3], $0xC8, $0x38;
	[tilespmem:$0x19400] =	vst v63  }
0x13: {  	_ =	swait.ge [sflag:s17], $0xC8  }
0x14: {  	[sflag:s17] =	ssyncset.done $0x0  }
0x15: {  	[sflag:s17] =	ssyncadd.s32 $0xFFFFFF38  }
0x16: {  	[tilespmem:s19], [sflag:$0x1] =	stream.indirect.gather [hbm4b:s5+s18], $0x80, s3, s18, $0xb8;
	[tilespmem:$0x19400] =	vst v63  }
0x17: {  	s7 =	simm.s32 $0x100;
	s20 =	rddreg [dreg:$0x4]  }
0x18: {  	[tilespmem:s7], [sflag:$0x9] =	stream.linear.gather [hbm4b:s20+s3], $0xC8, $0x38;
	[tilespmem:$0x19400] =	vst v63  }
0x19: {  	_ =	swait.ge [sflag:s17], $0xC8  }
0x1a: {  	[sflag:s17] =	ssyncset.done $0x0  }
0x1b: {  	[sflag:s17] =	ssyncadd.s32 $0xFFFFFF38  }
0x1c: {  	[tilespmem:s21], [sflag:$0x2] =	stream.indirect.gather [hbm4b:s5+s18], $0x80, s7, s18, $0xb8;
	[tilespmem:$0x19400] =	vst v63  }
0x1d: {  	s31 =	simm.s32 $0x200;
	s22 =	rddreg [dreg:$0x5]  }
0x1e: {  	[tilespmem:s31], [sflag:$0x9] =	stream.linear.gather [hbm4b:s22+s3], $0xC8, $0x38;
	[tilespmem:$0x19400] =	vst v63  }
0x1f: {  	_ =	swait.ge [sflag:s17], $0xC8  }
0x20: {  	[sflag:s17] =	ssyncset.done $0x0  }
0x21: {  	s20 =	simm.s32 $0x0;
	[sflag:s17] =	ssyncadd.s32 $0xFFFFFF38  }
0x22: {  	[tilespmem:s23], [sflag:$0x3] =	stream.indirect.gather [hbm4b:s5+s18], $0x80, s31, s18, $0xb8;
	[tilespmem:$0x19400] =	vst v63  }
.LBB2_2:
0x23: {  	s16 =	smul.u32 $0x320, s20;
	_ =	sdelay $0x1  }
0x24: {  	s22 =	sadd.s32 s16, s10  }
0x25: {  	s1 =	sshrl.u32 s22, $0x3  }
0x26: {  	s1 =	sadd.s32 s2, s1  }
0x27: {  	[tilespmem:s24], [sflag:$0x9] =	stream.linear.gather [hbm4b:s1+s3], $0xC8, $0x38;
	[tilespmem:$0x19400] =	vst v63  }
0x28: {  	_ =	swait.ge [sflag:s17], $0xC8  }
0x29: {  	p0 =	seq.s32 s20, $0x0;
	[sflag:s17] =	ssyncset.done $0x0  }
0x2a: {  	s1 =	simm.s32 @!p0 $0x8;
	[sflag:s17] =	ssyncadd.s32 $0xFFFFFF38  }
0x2b: {  	_ =	swait.ge @!p0 [sflag:s1], $0x6400  }
0x2c: {  	[sflag:s1] =	ssyncset.done @!p0 $0x0  }
0x2d: {  	[sflag:s1] =	ssyncadd.s32 @!p0 $0xFFFF9C00  }
0x2e: {  	[tilespmem:s25], [sflag:$0x4] =	stream.indirect.gather [hbm4b:s5+s18], $0x80, s24, s18, $0xb8;
	[tilespmem:$0x19400] =	vst v63  }
0x2f: {  	_ =	swait.ge [sflag:s26], $0x6400  }
0x30: {  	[sflag:s26] =	ssyncset.done $0x0  }
0x31: {  	s7 =	simm.s32 $0x500;
	[sflag:s26] =	ssyncadd.s32 $0xFFFF9C00  }
0x32: {  	v1 =	vld [tilespmem:s7+$0x20]  }
0x33: {  	v2 =	vld [tilespmem:s7+$0xFFFFFF80]  }
0x34: {  	v3 =	vld [tilespmem:s7+$0xA0]  }
0x35: {  	v4 =	vld [tilespmem:s7+$0x90]  }
0x36: {  	v5 =	vld [tilespmem:s7+$0xFFFFFF20]  }
0x37: {  	v0 =	vld [tilespmem:s7+$0x10]  }
0x38: {  	v7 =	vld [tilespmem:s7+$0xFFFFFF10]  }
0x39: {  	v8 =	vld [tilespmem:s7+$0x80]  }
0x3a: {  	v9 =	vld [tilespmem:s7+$0xFFFFFF00];
	v4 =	vmul.f32 $8.000000000e+00, v4  }
0x3b: {  	v10 =	vld [tilespmem:s7+$0x30];
	v1 =	vmul.f32 $8.000000000e+00, v1  }
0x3c: {  	v11 =	vld [tilespmem:s7+$0xFFFFFF90];
	v2 =	vmul.f32 $8.000000000e+00, v2;
	[tilespmem:s7+$0x90] =	vst v4  }
0x3d: {  	v6 =	vld [tilespmem:s7+$0xB0];
	v4 =	vmul.f32 $8.000000000e+00, v3;
	[tilespmem:s7+$0x20] =	vst v1  }
0x3e: {  	v12 =	vmul.f32 $8.000000000e+00, v5;
	v3 =	vld [tilespmem:s7+$0x0];
	[tilespmem:s7+$0xFFFFFF80] =	vst v2  }
0x3f: {  	v2 =	vmul.f32 $8.000000000e+00, v8;
	[tilespmem:s7+$0xA0] =	vst v4;
	v4 =	vld [tilespmem:s7+$0xFFFFFFB0]  }
0x40: {  	v5 =	vld [tilespmem:s7+$0xFFFFFFA0];
	v8 =	vmul.f32 $8.000000000e+00, v9;
	v1 =	vmul.f32 $8.000000000e+00, v7;
	[tilespmem:s7+$0xFFFFFF20] =	vst v12  }
0x41: {  	s31 =	simm.s32 $0x0;
	s1 =	simm.s32 $0x700;
	v7 =	vld [tilespmem:s7+$0xFFFFFF30];
	v9 =	vmul.f32 $8.000000000e+00, v11;
	[tilespmem:s7+$0x80] =	vst v2;
	v2 =	vmul.f32 $8.000000000e+00, v10  }
.LBB2_3:
0x42: {  	v10 =	vld [tilespmem:s1+$0x20];
	s31 =	sadd.s32 $0x4, s31;
	[tilespmem:s7+$0xFFFFFF00] =	vst v8;
	v0 =	vmul.f32 $8.000000000e+00, v0;
	v6 =	vmul.f32 $8.000000000e+00, v6  }
0x43: {  	v8 =	vld [tilespmem:s1+$0xFFFFFF80];
	p0 =	slt.u32 s31, $0xC4;
	[tilespmem:s7+$0xFFFFFF90] =	vst v9;
	v3 =	vmul.f32 $8.000000000e+00, v3  }
0x44: {  	v9 =	vld [tilespmem:s1+$0xA0];
	v4 =	vmul.f32 $8.000000000e+00, v4;
	[tilespmem:s7+$0xB0] =	vst v6  }
0x45: {  	v11 =	vld [tilespmem:s1+$0xFFFFFF20];
	v5 =	vmul.f32 $8.000000000e+00, v5;
	[tilespmem:s7+$0x0] =	vst v3  }
0x46: {  	v3 =	vld [tilespmem:s1+$0x90];
	v6 =	vmul.f32 $8.000000000e+00, v7;
	[tilespmem:s7+$0x10] =	vst v0  }
0x47: {  	v0 =	vld [tilespmem:s1+$0x10];
	v7 =	vmul.f32 $8.000000000e+00, v10;
	[tilespmem:s7+$0xFFFFFF10] =	vst v1  }
0x48: {  	v1 =	vld [tilespmem:s1+$0xFFFFFF10];
	[tilespmem:s7+$0xFFFFFF30] =	vst v6  }
0x49: {  	v10 =	vld [tilespmem:s1+$0x80];
	v9 =	vmul.f32 $8.000000000e+00, v9;
	[tilespmem:s7+$0x30] =	vst v2  }
0x4a: {  	v2 =	vld [tilespmem:s1+$0xFFFFFF00];
	[tilespmem:s7+$0xFFFFFFB0] =	vst v4  }
0x4b: {  	v12 =	vld [tilespmem:s1+$0x30];
	v3 =	vmul.f32 $8.000000000e+00, v3;
	[tilespmem:s7+$0xFFFFFFA0] =	vst v5;
	s7 =	smov.u32 s1  }
0x4c: {  	v13 =	vld [tilespmem:s1+$0xFFFFFF90];
	[tilespmem:s1+$0x20] =	vst v7  }
.Ltmp0:
0x4d: {  	v4 =	vmul.f32 $8.000000000e+00, v8;
	[tilespmem:s1+$0x90] =	vst v3;
	v6 =	vld [tilespmem:s1+$0xB0];
	(pc) =	sbr.rel @p0 .LBB2_3-.Ltmp0, $4  }
0x4e: {  	v3 =	vld [tilespmem:s1+$0x0];
	v7 =	vmul.f32 $8.000000000e+00, v10;
	[tilespmem:s1+$0xA0] =	vst v9  }
0x4f: {  	v9 =	vmul.f32 $8.000000000e+00, v11;
	[tilespmem:s1+$0xFFFFFF80] =	vst v4;
	v4 =	vld [tilespmem:s1+$0xFFFFFFB0]  }
0x50: {  	v1 =	vmul.f32 $8.000000000e+00, v1;
	v8 =	vmul.f32 $8.000000000e+00, v2;
	v5 =	vld [tilespmem:s1+$0xFFFFFFA0];
	[tilespmem:s1+$0x80] =	vst v7  }
0x51: {  	v2 =	vmul.f32 $8.000000000e+00, v12;
	s1 =	sadd.s32 $0x200, s1;
	[tilespmem:s7+$0xFFFFFF20] =	vst v9;
	v7 =	vld [tilespmem:s7+$0xFFFFFF30];
	v9 =	vmul.f32 $8.000000000e+00, v13  }
0x52: {  	[tilespmem:s7+$0xFFFFFF00] =	vst v8  }
0x53: {  	[tilespmem:s7+$0xFFFFFF10] =	vst v1  }
0x54: {  	v6 =	vmul.f32 $8.000000000e+00, v6;
	[tilespmem:s7+$0xFFFFFF90] =	vst v9  }
0x55: {  	v0 =	vmul.f32 $8.000000000e+00, v0;
	[tilespmem:s7+$0x30] =	vst v2  }
0x56: {  	v3 =	vmul.f32 $8.000000000e+00, v3;
	[tilespmem:s7+$0xB0] =	vst v6  }
0x57: {  	[tilespmem:s7+$0x10] =	vst v0;
	v0 =	vmul.f32 $8.000000000e+00, v4  }
0x58: {  	[tilespmem:s7+$0x0] =	vst v3;
	v1 =	vmul.f32 $8.000000000e+00, v5  }
0x59: {  	s1 =	sadd.s32 s4, s16;
	v3 =	vmul.f32 $8.000000000e+00, v7;
	[tilespmem:s7+$0xFFFFFFB0] =	vst v0  }
0x5a: {  	s1 =	sshll.u32 s1, $0x4;
	[tilespmem:s7+$0xFFFFFFA0] =	vst v1  }
0x5b: {  	p0 =	seq.s32 s20, $0x1F;
	s1 =	sadd.s32 s6, s1;
	[tilespmem:s7+$0xFFFFFF30] =	vst v3  }
0x5c: {  	[hbm4b:s1+s3] =	stream.linear.scatter [tilespmem:s19], [sflag:$0x5], $0x6400, $0x38;
	[tilespmem:$0x19400] =	vst v63  }
0x5d: {  	s1 =	sadd.s32 @!p0 s16, s11  }
0x5e: {  	s1 =	sshrl.u32 @!p0 s1, $0x3  }
0x5f: {  	s7 =	simm.s32 @!p0 $0x0;
	s1 =	sadd.s32 @!p0 s2, s1  }
0x60: {  	[tilespmem:s7], [sflag:$0x9] =	stream.linear.gather @!p0 [hbm4b:s1+s7], $0xC8, $0x38;
	[tilespmem:$0x19400] =	vst v63  }
0x61: {  	s1 =	simm.s32 @!p0 $0x9  }
0x62: {  	_ =	swait.ge @!p0 [sflag:s1], $0xC8  }
0x63: {  	[sflag:s1] =	ssyncset.done @!p0 $0x0  }
0x64: {  	[sflag:s1] =	ssyncadd.s32 @!p0 $0xFFFFFF38;
	s1 =	simm.s32 @!p0 $0x5  }
0x65: {  	_ =	swait.ge @!p0 [sflag:s1], $0x6400  }
0x66: {  	[sflag:s1] =	ssyncset.done @!p0 $0x0  }
0x67: {  	s31 =	simm.s32 @!p0 $0x400;
	[sflag:s1] =	ssyncadd.s32 @!p0 $0xFFFF9C00;
	s1 =	simm.s32 @!p0 $0xC8  }
0x68: {  	[tilespmem:s31], [sflag:$0x1] =	stream.indirect.gather @!p0 [hbm4b:s5+s1], $0x80, s7, s1, $0xb8;
	[tilespmem:$0x19400] =	vst v63  }
0x69: {  	_ =	swait.ge [sflag:s28], $0x6400  }
0x6a: {  	[sflag:s28] =	ssyncset.done $0x0  }
0x6b: {  	s7 =	simm.s32 $0x6900;
	[sflag:s28] =	ssyncadd.s32 $0xFFFF9C00  }
0x6c: {  	v1 =	vld [tilespmem:s7+$0x20]  }
0x6d: {  	v2 =	vld [tilespmem:s7+$0xFFFFFF80]  }
0x6e: {  	v3 =	vld [tilespmem:s7+$0xA0]  }
0x6f: {  	v4 =	vld [tilespmem:s7+$0x90]  }
0x70: {  	v5 =	vld [tilespmem:s7+$0xFFFFFF20]  }
0x71: {  	v0 =	vld [tilespmem:s7+$0x10]  }
0x72: {  	v7 =	vld [tilespmem:s7+$0xFFFFFF10]  }
0x73: {  	v8 =	vld [tilespmem:s7+$0x80]  }
0x74: {  	v9 =	vld [tilespmem:s7+$0xFFFFFF00];
	v4 =	vmul.f32 $8.000000000e+00, v4  }
0x75: {  	v10 =	vld [tilespmem:s7+$0x30];
	v1 =	vmul.f32 $8.000000000e+00, v1  }
0x76: {  	v11 =	vld [tilespmem:s7+$0xFFFFFF90];
	v2 =	vmul.f32 $8.000000000e+00, v2;
	[tilespmem:s7+$0x90] =	vst v4  }
0x77: {  	v6 =	vld [tilespmem:s7+$0xB0];
	v4 =	vmul.f32 $8.000000000e+00, v3;
	[tilespmem:s7+$0x20] =	vst v1  }
0x78: {  	v12 =	vmul.f32 $8.000000000e+00, v5;
	v3 =	vld [tilespmem:s7+$0x0];
	[tilespmem:s7+$0xFFFFFF80] =	vst v2  }
0x79: {  	v2 =	vmul.f32 $8.000000000e+00, v8;
	[tilespmem:s7+$0xA0] =	vst v4;
	v4 =	vld [tilespmem:s7+$0xFFFFFFB0]  }
0x7a: {  	v5 =	vld [tilespmem:s7+$0xFFFFFFA0];
	v8 =	vmul.f32 $8.000000000e+00, v9;
	v1 =	vmul.f32 $8.000000000e+00, v7;
	[tilespmem:s7+$0xFFFFFF20] =	vst v12  }
0x7b: {  	s31 =	simm.s32 $0x0;
	s1 =	simm.s32 $0x6B00;
	v7 =	vld [tilespmem:s7+$0xFFFFFF30];
	v9 =	vmul.f32 $8.000000000e+00, v11;
	[tilespmem:s7+$0x80] =	vst v2;
	v2 =	vmul.f32 $8.000000000e+00, v10  }
.LBB2_5:
0x7c: {  	v10 =	vld [tilespmem:s1+$0x20];
	s31 =	sadd.s32 $0x4, s31;
	[tilespmem:s7+$0xFFFFFF00] =	vst v8;
	v0 =	vmul.f32 $8.000000000e+00, v0;
	v6 =	vmul.f32 $8.000000000e+00, v6  }
0x7d: {  	v8 =	vld [tilespmem:s1+$0xFFFFFF80];
	p1 =	slt.u32 s31, $0xC4;
	[tilespmem:s7+$0xFFFFFF90] =	vst v9;
	v3 =	vmul.f32 $8.000000000e+00, v3  }
0x7e: {  	v9 =	vld [tilespmem:s1+$0xA0];
	v4 =	vmul.f32 $8.000000000e+00, v4;
	[tilespmem:s7+$0xB0] =	vst v6  }
0x7f: {  	v11 =	vld [tilespmem:s1+$0xFFFFFF20];
	v5 =	vmul.f32 $8.000000000e+00, v5;
	[tilespmem:s7+$0x0] =	vst v3  }
0x80: {  	v3 =	vld [tilespmem:s1+$0x90];
	v6 =	vmul.f32 $8.000000000e+00, v7;
	[tilespmem:s7+$0x10] =	vst v0  }
0x81: {  	v0 =	vld [tilespmem:s1+$0x10];
	v7 =	vmul.f32 $8.000000000e+00, v10;
	[tilespmem:s7+$0xFFFFFF10] =	vst v1  }
0x82: {  	v1 =	vld [tilespmem:s1+$0xFFFFFF10];
	[tilespmem:s7+$0xFFFFFF30] =	vst v6  }
0x83: {  	v10 =	vld [tilespmem:s1+$0x80];
	v9 =	vmul.f32 $8.000000000e+00, v9;
	[tilespmem:s7+$0x30] =	vst v2  }
0x84: {  	v2 =	vld [tilespmem:s1+$0xFFFFFF00];
	[tilespmem:s7+$0xFFFFFFB0] =	vst v4  }
0x85: {  	v12 =	vld [tilespmem:s1+$0x30];
	v3 =	vmul.f32 $8.000000000e+00, v3;
	[tilespmem:s7+$0xFFFFFFA0] =	vst v5;
	s7 =	smov.u32 s1  }
0x86: {  	v13 =	vld [tilespmem:s1+$0xFFFFFF90];
	[tilespmem:s1+$0x20] =	vst v7  }
.Ltmp1:
0x87: {  	v4 =	vmul.f32 $8.000000000e+00, v8;
	[tilespmem:s1+$0x90] =	vst v3;
	v6 =	vld [tilespmem:s1+$0xB0];
	(pc) =	sbr.rel @p1 .LBB2_5-.Ltmp1, $4  }
0x88: {  	v3 =	vld [tilespmem:s1+$0x0];
	v7 =	vmul.f32 $8.000000000e+00, v10;
	[tilespmem:s1+$0xA0] =	vst v9  }
0x89: {  	v9 =	vmul.f32 $8.000000000e+00, v11;
	[tilespmem:s1+$0xFFFFFF80] =	vst v4;
	v4 =	vld [tilespmem:s1+$0xFFFFFFB0]  }
0x8a: {  	v1 =	vmul.f32 $8.000000000e+00, v1;
	v8 =	vmul.f32 $8.000000000e+00, v2;
	v5 =	vld [tilespmem:s1+$0xFFFFFFA0];
	[tilespmem:s1+$0x80] =	vst v7  }
0x8b: {  	v2 =	vmul.f32 $8.000000000e+00, v12;
	s1 =	sadd.s32 $0x200, s1;
	[tilespmem:s7+$0xFFFFFF20] =	vst v9;
	v7 =	vld [tilespmem:s7+$0xFFFFFF30];
	v9 =	vmul.f32 $8.000000000e+00, v13  }
0x8c: {  	[tilespmem:s7+$0xFFFFFF00] =	vst v8  }
0x8d: {  	[tilespmem:s7+$0xFFFFFF10] =	vst v1  }
0x8e: {  	v6 =	vmul.f32 $8.000000000e+00, v6;
	[tilespmem:s7+$0xFFFFFF90] =	vst v9  }
0x8f: {  	v0 =	vmul.f32 $8.000000000e+00, v0;
	[tilespmem:s7+$0x30] =	vst v2  }
0x90: {  	v3 =	vmul.f32 $8.000000000e+00, v3;
	[tilespmem:s7+$0xB0] =	vst v6  }
0x91: {  	[tilespmem:s7+$0x10] =	vst v0;
	v0 =	vmul.f32 $8.000000000e+00, v4  }
0x92: {  	[tilespmem:s7+$0x0] =	vst v3;
	v1 =	vmul.f32 $8.000000000e+00, v5  }
0x93: {  	s1 =	sadd.s32 s16, s12;
	v3 =	vmul.f32 $8.000000000e+00, v7;
	[tilespmem:s7+$0xFFFFFFB0] =	vst v0  }
0x94: {  	s1 =	sshll.u32 s1, $0x4;
	[tilespmem:s7+$0xFFFFFFA0] =	vst v1  }
0x95: {  	s1 =	sadd.s32 s6, s1;
	[tilespmem:s7+$0xFFFFFF30] =	vst v3  }
0x96: {  	[hbm4b:s1+s3] =	stream.linear.scatter [tilespmem:s21], [sflag:$0x6], $0x6400, $0x38;
	[tilespmem:$0x19400] =	vst v63  }
0x97: {  	s1 =	sadd.s32 @!p0 s16, s13  }
0x98: {  	s1 =	sshrl.u32 @!p0 s1, $0x3  }
0x99: {  	s31 =	simm.s32 @!p0 $0x100;
	s7 =	simm.s32 @!p0 $0x0;
	s1 =	sadd.s32 @!p0 s2, s1  }
0x9a: {  	[tilespmem:s31], [sflag:$0x9] =	stream.linear.gather @!p0 [hbm4b:s1+s7], $0xC8, $0x38;
	[tilespmem:$0x19400] =	vst v63  }
0x9b: {  	s1 =	simm.s32 @!p0 $0x9  }
0x9c: {  	_ =	swait.ge @!p0 [sflag:s1], $0xC8  }
0x9d: {  	[sflag:s1] =	ssyncset.done @!p0 $0x0  }
0x9e: {  	[sflag:s1] =	ssyncadd.s32 @!p0 $0xFFFFFF38;
	s1 =	simm.s32 @!p0 $0x6  }
0x9f: {  	_ =	swait.ge @!p0 [sflag:s1], $0x6400  }
0xa0: {  	[sflag:s1] =	ssyncset.done @!p0 $0x0  }
0xa1: {  	s7 =	simm.s32 @!p0 $0x6800;
	[sflag:s1] =	ssyncadd.s32 @!p0 $0xFFFF9C00;
	s1 =	simm.s32 @!p0 $0xC8  }
0xa2: {  	[tilespmem:s7], [sflag:$0x2] =	stream.indirect.gather @!p0 [hbm4b:s5+s1], $0x80, s31, s1, $0xb8;
	[tilespmem:$0x19400] =	vst v63  }
0xa3: {  	_ =	swait.ge [sflag:s29], $0x6400  }
0xa4: {  	[sflag:s29] =	ssyncset.done $0x0  }
0xa5: {  	s7 =	simm.s32 $0xCD00;
	[sflag:s29] =	ssyncadd.s32 $0xFFFF9C00  }
0xa6: {  	v1 =	vld [tilespmem:s7+$0x20]  }
0xa7: {  	v2 =	vld [tilespmem:s7+$0xFFFFFF80]  }
0xa8: {  	v3 =	vld [tilespmem:s7+$0xA0]  }
0xa9: {  	v4 =	vld [tilespmem:s7+$0x90]  }
0xaa: {  	v5 =	vld [tilespmem:s7+$0xFFFFFF20]  }
0xab: {  	v0 =	vld [tilespmem:s7+$0x10]  }
0xac: {  	v7 =	vld [tilespmem:s7+$0xFFFFFF10]  }
0xad: {  	v8 =	vld [tilespmem:s7+$0x80]  }
0xae: {  	v9 =	vld [tilespmem:s7+$0xFFFFFF00];
	v4 =	vmul.f32 $8.000000000e+00, v4  }
0xaf: {  	v10 =	vld [tilespmem:s7+$0x30];
	v1 =	vmul.f32 $8.000000000e+00, v1  }
0xb0: {  	v11 =	vld [tilespmem:s7+$0xFFFFFF90];
	v2 =	vmul.f32 $8.000000000e+00, v2;
	[tilespmem:s7+$0x90] =	vst v4  }
0xb1: {  	v6 =	vld [tilespmem:s7+$0xB0];
	v4 =	vmul.f32 $8.000000000e+00, v3;
	[tilespmem:s7+$0x20] =	vst v1  }
0xb2: {  	v12 =	vmul.f32 $8.000000000e+00, v5;
	v3 =	vld [tilespmem:s7+$0x0];
	[tilespmem:s7+$0xFFFFFF80] =	vst v2  }
0xb3: {  	v2 =	vmul.f32 $8.000000000e+00, v8;
	[tilespmem:s7+$0xA0] =	vst v4;
	v4 =	vld [tilespmem:s7+$0xFFFFFFB0]  }
0xb4: {  	v5 =	vld [tilespmem:s7+$0xFFFFFFA0];
	v8 =	vmul.f32 $8.000000000e+00, v9;
	v1 =	vmul.f32 $8.000000000e+00, v7;
	[tilespmem:s7+$0xFFFFFF20] =	vst v12  }
0xb5: {  	s31 =	simm.s32 $0x0;
	s1 =	simm.s32 $0xCF00;
	v7 =	vld [tilespmem:s7+$0xFFFFFF30];
	v9 =	vmul.f32 $8.000000000e+00, v11;
	[tilespmem:s7+$0x80] =	vst v2;
	v2 =	vmul.f32 $8.000000000e+00, v10  }
.LBB2_7:
0xb6: {  	v10 =	vld [tilespmem:s1+$0x20];
	s31 =	sadd.s32 $0x4, s31;
	[tilespmem:s7+$0xFFFFFF00] =	vst v8;
	v0 =	vmul.f32 $8.000000000e+00, v0;
	v6 =	vmul.f32 $8.000000000e+00, v6  }
0xb7: {  	v8 =	vld [tilespmem:s1+$0xFFFFFF80];
	p1 =	slt.u32 s31, $0xC4;
	[tilespmem:s7+$0xFFFFFF90] =	vst v9;
	v3 =	vmul.f32 $8.000000000e+00, v3  }
0xb8: {  	v9 =	vld [tilespmem:s1+$0xA0];
	v4 =	vmul.f32 $8.000000000e+00, v4;
	[tilespmem:s7+$0xB0] =	vst v6  }
0xb9: {  	v11 =	vld [tilespmem:s1+$0xFFFFFF20];
	v5 =	vmul.f32 $8.000000000e+00, v5;
	[tilespmem:s7+$0x0] =	vst v3  }
0xba: {  	v3 =	vld [tilespmem:s1+$0x90];
	v6 =	vmul.f32 $8.000000000e+00, v7;
	[tilespmem:s7+$0x10] =	vst v0  }
0xbb: {  	v0 =	vld [tilespmem:s1+$0x10];
	v7 =	vmul.f32 $8.000000000e+00, v10;
	[tilespmem:s7+$0xFFFFFF10] =	vst v1  }
0xbc: {  	v1 =	vld [tilespmem:s1+$0xFFFFFF10];
	[tilespmem:s7+$0xFFFFFF30] =	vst v6  }
0xbd: {  	v10 =	vld [tilespmem:s1+$0x80];
	v9 =	vmul.f32 $8.000000000e+00, v9;
	[tilespmem:s7+$0x30] =	vst v2  }
0xbe: {  	v2 =	vld [tilespmem:s1+$0xFFFFFF00];
	[tilespmem:s7+$0xFFFFFFB0] =	vst v4  }
0xbf: {  	v12 =	vld [tilespmem:s1+$0x30];
	v3 =	vmul.f32 $8.000000000e+00, v3;
	[tilespmem:s7+$0xFFFFFFA0] =	vst v5;
	s7 =	smov.u32 s1  }
0xc0: {  	v13 =	vld [tilespmem:s1+$0xFFFFFF90];
	[tilespmem:s1+$0x20] =	vst v7  }
.Ltmp2:
0xc1: {  	v4 =	vmul.f32 $8.000000000e+00, v8;
	[tilespmem:s1+$0x90] =	vst v3;
	v6 =	vld [tilespmem:s1+$0xB0];
	(pc) =	sbr.rel @p1 .LBB2_7-.Ltmp2, $4  }
0xc2: {  	v3 =	vld [tilespmem:s1+$0x0];
	v7 =	vmul.f32 $8.000000000e+00, v10;
	[tilespmem:s1+$0xA0] =	vst v9  }
0xc3: {  	v9 =	vmul.f32 $8.000000000e+00, v11;
	[tilespmem:s1+$0xFFFFFF80] =	vst v4;
	v4 =	vld [tilespmem:s1+$0xFFFFFFB0]  }
0xc4: {  	v1 =	vmul.f32 $8.000000000e+00, v1;
	v8 =	vmul.f32 $8.000000000e+00, v2;
	v5 =	vld [tilespmem:s1+$0xFFFFFFA0];
	[tilespmem:s1+$0x80] =	vst v7  }
0xc5: {  	v2 =	vmul.f32 $8.000000000e+00, v12;
	s1 =	sadd.s32 $0x200, s1;
	[tilespmem:s7+$0xFFFFFF20] =	vst v9;
	v7 =	vld [tilespmem:s7+$0xFFFFFF30];
	v9 =	vmul.f32 $8.000000000e+00, v13  }
0xc6: {  	[tilespmem:s7+$0xFFFFFF00] =	vst v8  }
0xc7: {  	[tilespmem:s7+$0xFFFFFF10] =	vst v1  }
0xc8: {  	v6 =	vmul.f32 $8.000000000e+00, v6;
	[tilespmem:s7+$0xFFFFFF90] =	vst v9  }
0xc9: {  	v0 =	vmul.f32 $8.000000000e+00, v0;
	[tilespmem:s7+$0x30] =	vst v2  }
0xca: {  	v3 =	vmul.f32 $8.000000000e+00, v3;
	[tilespmem:s7+$0xB0] =	vst v6  }
0xcb: {  	[tilespmem:s7+$0x10] =	vst v0;
	v0 =	vmul.f32 $8.000000000e+00, v4  }
0xcc: {  	[tilespmem:s7+$0x0] =	vst v3;
	v1 =	vmul.f32 $8.000000000e+00, v5  }
0xcd: {  	s1 =	sadd.s32 s16, s14;
	v3 =	vmul.f32 $8.000000000e+00, v7;
	[tilespmem:s7+$0xFFFFFFB0] =	vst v0  }
0xce: {  	s1 =	sshll.u32 s1, $0x4;
	[tilespmem:s7+$0xFFFFFFA0] =	vst v1  }
0xcf: {  	s1 =	sadd.s32 s6, s1;
	[tilespmem:s7+$0xFFFFFF30] =	vst v3  }
0xd0: {  	[hbm4b:s1+s3] =	stream.linear.scatter [tilespmem:s23], [sflag:$0x7], $0x6400, $0x38;
	[tilespmem:$0x19400] =	vst v63  }
0xd1: {  	s1 =	sadd.s32 @!p0 s16, s15  }
0xd2: {  	s1 =	sshrl.u32 @!p0 s1, $0x3  }
0xd3: {  	s7 =	simm.s32 @!p0 $0x0;
	s16 =	simm.s32 @!p0 $0x200;
	s1 =	sadd.s32 @!p0 s2, s1  }
0xd4: {  	[tilespmem:s16], [sflag:$0x9] =	stream.linear.gather @!p0 [hbm4b:s1+s7], $0xC8, $0x38;
	[tilespmem:$0x19400] =	vst v63  }
0xd5: {  	s1 =	simm.s32 @!p0 $0x9  }
0xd6: {  	_ =	swait.ge @!p0 [sflag:s1], $0xC8  }
0xd7: {  	[sflag:s1] =	ssyncset.done @!p0 $0x0  }
0xd8: {  	[sflag:s1] =	ssyncadd.s32 @!p0 $0xFFFFFF38;
	s1 =	simm.s32 @!p0 $0x7  }
0xd9: {  	_ =	swait.ge @!p0 [sflag:s1], $0x6400  }
0xda: {  	[sflag:s1] =	ssyncset.done @!p0 $0x0  }
0xdb: {  	s7 =	simm.s32 @!p0 $0xCC00;
	[sflag:s1] =	ssyncadd.s32 @!p0 $0xFFFF9C00;
	s1 =	simm.s32 @!p0 $0xC8  }
0xdc: {  	[tilespmem:s7], [sflag:$0x3] =	stream.indirect.gather @!p0 [hbm4b:s5+s1], $0x80, s16, s1, $0xb8;
	[tilespmem:$0x19400] =	vst v63  }
0xdd: {  	_ =	swait.ge [sflag:s30], $0x6400  }
0xde: {  	[sflag:s30] =	ssyncset.done $0x0  }
0xdf: {  	s7 =	simm.s32 $0x13100;
	[sflag:s30] =	ssyncadd.s32 $0xFFFF9C00  }
0xe0: {  	v1 =	vld [tilespmem:s7+$0x20]  }
0xe1: {  	v2 =	vld [tilespmem:s7+$0xFFFFFF80]  }
0xe2: {  	v3 =	vld [tilespmem:s7+$0xA0]  }
0xe3: {  	v4 =	vld [tilespmem:s7+$0x90]  }
0xe4: {  	v5 =	vld [tilespmem:s7+$0xFFFFFF20]  }
0xe5: {  	v0 =	vld [tilespmem:s7+$0x10]  }
0xe6: {  	v7 =	vld [tilespmem:s7+$0xFFFFFF10]  }
0xe7: {  	v8 =	vld [tilespmem:s7+$0x80]  }
0xe8: {  	v9 =	vld [tilespmem:s7+$0xFFFFFF00];
	v4 =	vmul.f32 $8.000000000e+00, v4  }
0xe9: {  	v10 =	vld [tilespmem:s7+$0x30];
	v1 =	vmul.f32 $8.000000000e+00, v1  }
0xea: {  	v11 =	vld [tilespmem:s7+$0xFFFFFF90];
	v2 =	vmul.f32 $8.000000000e+00, v2;
	[tilespmem:s7+$0x90] =	vst v4  }
0xeb: {  	v6 =	vld [tilespmem:s7+$0xB0];
	v4 =	vmul.f32 $8.000000000e+00, v3;
	[tilespmem:s7+$0x20] =	vst v1  }
0xec: {  	v12 =	vmul.f32 $8.000000000e+00, v5;
	v3 =	vld [tilespmem:s7+$0x0];
	[tilespmem:s7+$0xFFFFFF80] =	vst v2  }
0xed: {  	v2 =	vmul.f32 $8.000000000e+00, v8;
	[tilespmem:s7+$0xA0] =	vst v4;
	v4 =	vld [tilespmem:s7+$0xFFFFFFB0]  }
0xee: {  	v5 =	vld [tilespmem:s7+$0xFFFFFFA0];
	v8 =	vmul.f32 $8.000000000e+00, v9;
	v1 =	vmul.f32 $8.000000000e+00, v7;
	[tilespmem:s7+$0xFFFFFF20] =	vst v12  }
0xef: {  	s16 =	simm.s32 $0x0;
	s1 =	simm.s32 $0x13300;
	v7 =	vld [tilespmem:s7+$0xFFFFFF30];
	v9 =	vmul.f32 $8.000000000e+00, v11;
	[tilespmem:s7+$0x80] =	vst v2;
	v2 =	vmul.f32 $8.000000000e+00, v10  }
.LBB2_9:
0xf0: {  	v10 =	vld [tilespmem:s1+$0x20];
	s16 =	sadd.s32 $0x4, s16;
	[tilespmem:s7+$0xFFFFFF00] =	vst v8;
	v0 =	vmul.f32 $8.000000000e+00, v0;
	v6 =	vmul.f32 $8.000000000e+00, v6  }
0xf1: {  	v8 =	vld [tilespmem:s1+$0xFFFFFF80];
	p0 =	slt.u32 s16, $0xC4;
	[tilespmem:s7+$0xFFFFFF90] =	vst v9;
	v3 =	vmul.f32 $8.000000000e+00, v3  }
0xf2: {  	v9 =	vld [tilespmem:s1+$0xA0];
	v4 =	vmul.f32 $8.000000000e+00, v4;
	[tilespmem:s7+$0xB0] =	vst v6  }
0xf3: {  	v11 =	vld [tilespmem:s1+$0xFFFFFF20];
	v5 =	vmul.f32 $8.000000000e+00, v5;
	[tilespmem:s7+$0x0] =	vst v3  }
0xf4: {  	v3 =	vld [tilespmem:s1+$0x90];
	v6 =	vmul.f32 $8.000000000e+00, v7;
	[tilespmem:s7+$0x10] =	vst v0  }
0xf5: {  	v0 =	vld [tilespmem:s1+$0x10];
	v7 =	vmul.f32 $8.000000000e+00, v10;
	[tilespmem:s7+$0xFFFFFF10] =	vst v1  }
0xf6: {  	v1 =	vld [tilespmem:s1+$0xFFFFFF10];
	[tilespmem:s7+$0xFFFFFF30] =	vst v6  }
0xf7: {  	v10 =	vld [tilespmem:s1+$0x80];
	v9 =	vmul.f32 $8.000000000e+00, v9;
	[tilespmem:s7+$0x30] =	vst v2  }
0xf8: {  	v2 =	vld [tilespmem:s1+$0xFFFFFF00];
	[tilespmem:s7+$0xFFFFFFB0] =	vst v4  }
0xf9: {  	v12 =	vld [tilespmem:s1+$0x30];
	v3 =	vmul.f32 $8.000000000e+00, v3;
	[tilespmem:s7+$0xFFFFFFA0] =	vst v5;
	s7 =	smov.u32 s1  }
0xfa: {  	v13 =	vld [tilespmem:s1+$0xFFFFFF90];
	[tilespmem:s1+$0x20] =	vst v7  }
.Ltmp3:
0xfb: {  	v4 =	vmul.f32 $8.000000000e+00, v8;
	[tilespmem:s1+$0x90] =	vst v3;
	v6 =	vld [tilespmem:s1+$0xB0];
	(pc) =	sbr.rel @p0 .LBB2_9-.Ltmp3, $4  }
0xfc: {  	v3 =	vld [tilespmem:s1+$0x0];
	v7 =	vmul.f32 $8.000000000e+00, v10;
	[tilespmem:s1+$0xA0] =	vst v9  }
0xfd: {  	v9 =	vmul.f32 $8.000000000e+00, v11;
	[tilespmem:s1+$0xFFFFFF80] =	vst v4;
	v4 =	vld [tilespmem:s1+$0xFFFFFFB0]  }
0xfe: {  	v1 =	vmul.f32 $8.000000000e+00, v1;
	v8 =	vmul.f32 $8.000000000e+00, v2;
	v5 =	vld [tilespmem:s1+$0xFFFFFFA0];
	[tilespmem:s1+$0x80] =	vst v7  }
0xff: {  	v2 =	vmul.f32 $8.000000000e+00, v12;
	s1 =	sadd.s32 $0x200, s1;
	[tilespmem:s7+$0xFFFFFF20] =	vst v9;
	v7 =	vld [tilespmem:s7+$0xFFFFFF30];
	v9 =	vmul.f32 $8.000000000e+00, v13  }
0x100: {  	[tilespmem:s7+$0xFFFFFF00] =	vst v8  }
0x101: {  	[tilespmem:s7+$0xFFFFFF10] =	vst v1  }
0x102: {  	v6 =	vmul.f32 $8.000000000e+00, v6;
	[tilespmem:s7+$0xFFFFFF90] =	vst v9  }
0x103: {  	v0 =	vmul.f32 $8.000000000e+00, v0;
	[tilespmem:s7+$0x30] =	vst v2  }
0x104: {  	s20 =	sadd.s32 $0x1, s20;
	v3 =	vmul.f32 $8.000000000e+00, v3;
	[tilespmem:s7+$0xB0] =	vst v6  }
0x105: {  	p0 =	sne.s32 s20, $0x20;
	[tilespmem:s7+$0x10] =	vst v0;
	v62 =	vmul.f32 $8.000000000e+00, v4  }
.Ltmp4:
0x106: {  	[tilespmem:s7+$0x0] =	vst v3;
	v63 =	vmul.f32 $8.000000000e+00, v5;
	(pc) =	sbr.rel @p0 .LBB2_2-.Ltmp4, $4  }
0x107: {  	v61 =	vmul.f32 $8.000000000e+00, v7;
	[tilespmem:s7+$0xFFFFFFB0] =	vst v62  }
0x108: {  	s1 =	sshll.u32 s22, $0x4;
	[tilespmem:s7+$0xFFFFFFA0] =	vst v63  }
0x109: {  	s1 =	sadd.s32 s6, s1;
	[tilespmem:s7+$0xFFFFFF30] =	vst v61  }
0x10a: {  	[hbm4b:s1+s3] =	stream.linear.scatter [tilespmem:s25], [sflag:$0x8], $0x6400, $0x38;
	[tilespmem:$0x19400] =	vst v63  }
0x10b: {  	s1 =	simm.s32 $0x5  }
0x10c: {  	_ =	swait.ge [sflag:s1], $0x6400  }
0x10d: {  	[sflag:s1] =	ssyncset.done $0x0  }
0x10e: {  	s22 =	simm.s32 $0x6;
	[sflag:s1] =	ssyncadd.s32 $0xFFFF9C00  }
0x10f: {  	_ =	swait.ge [sflag:s22], $0x6400  }
0x110: {  	[sflag:s22] =	ssyncset.done $0x0  }
0x111: {  	[sflag:s22] =	ssyncadd.s32 $0xFFFF9C00  }
0x112: {  	_ =	swait.ge [sflag:s0], $0x6400  }
0x113: {  	[sflag:s0] =	ssyncset.done $0x0  }
0x114: {  	[sflag:s0] =	ssyncadd.s32 $0xFFFF9C00  }
0x115: {  	_ =	swait.ge [sflag:s8], $0x6400  }
0x116: {  	s9 =	sadd.s32 $0x1, s9;
	s31 =	rddreg [dreg:$0x6]  }
0x117: {  	p0 =	sne.s32 s9, s31  }
.Ltmp5:
0x118: {  	_ = 	snop;
	(pc) =	sbr.rel @p0 .LBB2_1-.Ltmp5, $3  }
0x119: {  	_ =	sdelay $0x1  }
0x11a: {  	[sflag:s8] =	ssyncset.done $0x0  }
0x11b: {  	[sflag:s8] =	ssyncadd.s32 $0xFFFF9C00  }
0x11c: {  	_ =	sfence.sel $0x180000  }
0x11d: {  	[bflag:$0x0] =	sbarrier.arrive $0xFFFF  }
0x11e: {  	_ =	strace $0x90000047  }
0x11f: {  	s0 =	stileid.u32;
	[bflag:$0x2] =	sbarrier.arrive $0xFFFF  }
0x120: {  	p0 =	sne.s32 s0, $0x0;
	s0 =	rddreg [dreg:$0x2]  }
0x121: {  	s0 =	sadd.s32 @!p0 $0x100000, s0  }
0x122: {  	[sflag:s0] =	ssyncadd.tile.s32 @!p0 $0x1;
	_ =	shalt  }
.Lfunc_end2:
_tile_overlayer_lowered:
.L_overlay_start_2:
0x123: {  	(tag) =	ssettag $0x2  }
0x124: {  	s0 =	rddreg [dreg:$0x0];
	s2 =	stileid.u32  }
0x125: {  	s1 =	rddreg [dreg:$0x1];
	p0 =	sne.s32 s2, $0x0  }
0x126: {  	s3 =	rddreg [dreg:$0x2];
	[bflag:$0x3] =	sbarrier.arrive $0xFFFF;
	s2 =	simm.s32 @!p0 $0x1C09  }
0x127: {  	[timem:s3], [sflag:s2] =	dma.local @!p0 [hbm:s0], s1  }
0x128: {  	s0 =	simm.s32 @!p0 $0x9  }
0x129: {  	_ =	swait.ge @!p0 [sflag:s0], s1  }
0x12a: {  	s1 =	ssub.s32 @!p0 $0x0, s1;
	[sflag:s0] =	ssyncset.done @!p0 $0x0  }
0x12b: {  	[sflag:s0] =	ssyncadd.s32 @!p0 s1  }
0x12c: {  	[bflag:$0x3] =	sbarrier.arrive $0xFFFF  }
0x12d: {  	_ =	shalt  }

// kernel: sparse-core-data-format-call.cloned.1.call-start
scs
called_computation_lowered:
.L_overlay_start_0:
0x0: {  	s2 =	sld [smem:$0x3FD9]  }
0x1: {  	s3 =	sld [smem:$0x3FFE];
	_ =	sdelay $0x1  }
0x2: {  	s1 =	srdreg.scid  }
0x3: {  	s0 =	sand.u32 $0x1, s1  }
0x4: {  	s18 =	sshll.u32 s0, $0xA;
	s2 =	sadd.s32 s3, s2  }
0x5: {  	s2 =	sadd.s32 s2, s18  }
0x6: {  	[smem:$0x3FC6] =	sst s2  }
0x7: {  	_ = 	snop  }
0x8: {  	s2 =	sld [smem:$0x3FD0];
	(tm) =	ssettm $0x1  }
0x9: {  	s19 =	sld [smem:$0x3FFB];
	_ =	sdelay $0x3  }
0xa: {  	_ =	strace s19  }
0xb: {  	s3 =	sld [smem:$0x3FFC];
	_ =	sdelay $0x3  }
0xc: {  	_ =	strace s3  }
0xd: {  	s3 =	sld [smem:$0x3FFD];
	_ =	sdelay $0x3  }
0xe: {  	_ =	strace s3  }
0xf: {  	_ =	strace $0x8FFFFFFF  }
0x10: {  	s20 =	sld [smem:$0x3FDB];
	_ =	sdelay $0x1  }
0x11: {  	s4 =	simm.s32 $_scs_section_size  }
0x12: {  	s5 =	simm.s32 $_size__tile_overlayer_lowered;
	s6 =	simm.s32 $_tile_overlayer_lowered  }
0x13: {  	s23 =	simm.s32 $0x1BFF;
	s22 =	sshll.u32 s6, $0x1;
	s3 =	sadd.s32 s4, s20  }
0x14: {  	s7 =	simm.s32 $0x0;
	s21 =	sshll.u32 s5, $0x1;
	s5 =	sadd.s32 s22, s3  }
0x15: {  	[timem:s7], [sflag:s23] =	dma.local [hbm:s5], s21  }
0x16: {  	_ =	swait.ge [sflag:s23], s21  }
0x17: {  	s4 =	ssub.s32 $0x0, s21;
	[sflag:s23] =	ssyncset.done $0x0  }
0x18: {  	[sflag:s23] =	ssyncadd.s32 s4;
	_ =	sdelay $0x1  }
0x19: {  	s24 =	simm.s32 $0x1B8B  }
0x1a: {  	_ =	swait.ge [sflag:s24], $0x1  }
0x1b: {  	[sflag:s24] =	ssyncset.done $0x0  }
0x1c: {  	s26 =	simm.s32 $0x1B8E;
	s25 =	sld [smem:$0x3FFE];
	[sflag:s24] =	ssyncadd.s32 $0xFFFFFFFF  }
0x1d: {  	s27 =	simm.s32 $execute0_lowered;
	[smem:$0x3FD2] =	sst s26  }
0x1e: {  	s5 =	sshll.u32 s27, $0x1;
	_ =	strace $0x80000049;
	[dreg:$0x1] =	wrdreg $0xFFFFFFFF  }
0x1f: {  	s28 =	simm.s32 $_size_execute0_lowered;
	s3 =	sadd.s32 s3, s5;
	[dreg:$0x0] =	wrdreg $0x0  }
0x20: {  	s5 =	sshll.u32 s28, $0x1;
	[dreg:$0x2] =	wrdreg s3  }
0x21: {  	[dreg:$0x3] =	wrdreg s5  }
0x22: {  	[dreg:$0x4] =	wrdreg $0xC0  }
0x23: {  	_ =	task [dreg:s7], $0x5FFFF  }
0x24: {  	[dreg:$0x1] =	wrdreg $0xFFFFFFFF  }
0x25: {  	[dreg:$0x0] =	wrdreg $0x60  }
0x26: {  	[dreg:$0x2] =	wrdreg s25  }
0x27: {  	[dreg:$0x3] =	wrdreg s2  }
0x28: {  	[dreg:$0x4] =	wrdreg $0x9  }
0x29: {  	_ =	task.clear_ibuf [dreg:s7], $0x5FFFF;
	_ =	strace $0x90000049  }
0x2a: {  	s29 =	simm.s32 $0x9;
	_ =	strace $0x8000004B  }
0x2b: {  	_ =	swait.ge [sflag:s29], $0x1  }
0x2c: {  	[sflag:s29] =	ssyncadd.s32 $0xFFFFFFFF  }
0x2d: {  	_ =	strace $0x9000004B  }
0x2e: {  	_ =	sfence  }
0x2f: {  	s30 =	sld [smem:$0x0];
	_ =	sdelay $0x2  }
0x30: {  	s31 =	sshll.u32 s1, $0xD;
	s1 =	sshrl.u32 s1, $0x2  }
0x31: {  	s3 =	sand.u32 $0x4000, s31;
	s1 =	sadd.s32 s1, s30  }
0x32: {  	s0 =	sor.u32 s3, s0;
	s1 =	sshll.u32 s1, $0x11  }
0x33: {  	s0 =	sor.u32 s1, s0  }
0x34: {  	s0 =	sadd.s32 $0x8F2B, s0  }
0x35: {  	[sflag:s0] =	ssyncadd.remote.s32 $0x1  }
0x36: {  	_ =	sfence.sel $0xFFFF  }
0x37: {  	[dreg:$0x0] =	wrdreg $0xFFFFFFFF;
	(pc) =	sbr.abs _section_cstart, $3  }
0x38: {  	[dreg:$0x1] =	wrdreg $0xFFFFFFFF  }
0x39: {  	_ =	task.clear_ibuf [dreg:s7], $0x2FFFF;
	_ =	strace $0x9FFFFFFF  }
0x3a: {  	(tm) =	ssettm $0x7FFFFFFF  }
0x3b: {  	_ =	shalt  }
tec
execute0_lowered:
.L_overlay_start_1:
0x0: {  	(tag) =	ssettag $0x1  }
0x1: {  	s0 =	srdreg.scid  }
0x2: {  	s1 =	sshll.u32 s0, $0x4  }
0x3: {  	s0 =	stileid.u32;
	s1 =	sand.u32 $0x10, s1  }
0x4: {  	s1 =	sor.u32 s0, s1  }
0x5: {  	s6 =	rddreg [dreg:$0x0];
	s4 =	simm.s32 $0x1;
	s2 =	sshll.u32 s1, $0x7  }
0x6: {  	s7 =	simm.s32 $0x2;
	s12 =	simm.s32 $0x0;
	s1 =	ssub.s32 $0x1000, s2  }
0x7: {  	s8 =	simm.s32 $0x8000;
	s13 =	simm.s32 $0x0;
	s3 =	sand.u32 $0xF80, s1  }
0x8: {  	s9 =	simm.s32 $0x0;
	s5 =	sshrl.u32 s1, $0xC;
	p0 =	sne.s32 s3, $0x0  }
.Ltmp0:
0x9: {  	s1 =	rddreg [dreg:$0x2];
	s4 =	simm.s32 @!p0 $0x0;
	(pc) =	sbr.rel .LBB1_1-.Ltmp0, $4  }
0xa: {  	s11 =	simm.s32 $0x0;
	s3 =	rddreg [dreg:$0x1];
	s5 =	sadd.s32 s4, s5  }
0xb: {  	_ =	strace $0x8000004A;
	s4 =	simm.s32 $0x1;
	s5 =	smul.u32 $0xC8, s5  }
0xc: {  	s6 =	sadd.s32 $0xA00, s6;
	s10 =	smov.u32 s2;
	[sflag:s4] =	ssyncpa.u1 $0x0  }
0xd: {  	p0 =	por $0x0, $0x0;
	[sflag:s7] =	ssyncpa.u1 $0x0;
	s7 =	sor.u32 $0x1, s5  }
.LBB1_4:
0xe: {  	s16 =	sshll.u32 s13, $0x3;
	s17 =	sand.u32 $0x78, s13  }
0xf: {  	s30 =	sand.u32 $0x7E00, s13;
	s12 =	sshll.u32 s12, $0xF;
	s16 =	sand.u32 $0xC00, s16  }
0x10: {  	[tilespmem:s15+$0x810 ss:$0x81] =	vst.msk $0xffff, v2;
	s31 =	sand.u32 $0x7, s13;
	s16 =	sor.u32 s17, s16;
	s17 =	sadd.s32 s3, s30  }
0x11: {  	[tilespmem:s15+$0x1020 ss:$0x81] =	vst.msk $0xffff, v0;
	s13 =	sshll.u32 s31, $0x12;
	s12 =	sadd.s32 s12, s17;
	s16 =	sshrl.u32 s16, $0x3  }
0x12: {  	[tilespmem:s15+$0x0 ss:$0x81] =	vst.msk $0xffff, v1;
	s13 =	sor.u32 $0x400, s13;
	s12 =	sadd.s32 s16, s12  }
0x13: {  	[hbm4b:s12+s13] =	stream.strided.scatter [tilespmem:s14], [sflag:$0x2], $0x2000, s8, s13, $0x20;
	[tilespmem:$0x8080] =	vst v63  }
.LBB1_5:
0x14: {  	s14 =	sadd.s32 $0x1, s9  }
0x15: {  	s12 =	sadd.s32 $0x1000, s10;
	s16 =	smov.u32 s10;
	p2 =	sgt.s32 s14, $0xC7  }
0x16: {  	s16 =	smov.u32 @p2 s12  }
0x17: {  	s14 =	simm.s32 @p2 $0x0;
	p2 =	sgt.s32 s16, $0xFFF  }
0x18: {  	s16 =	smov.u32 @p2 s2;
	p2 =	sne.s32 s11, s7  }
.Ltmp1:
0x19: {  	p1 =	slt.u32 s11, $0x2;
	(pc) =	sbr.rel @!p2 .LBB1_6-.Ltmp1, $4  }
0x1a: {  	s15 =	simm.s32 @!p1 $0x2  }
0x1b: {  	s13 =	smov.u32 s10;
	p0 =	por !p0, !p0;
	_ =	swait.ge @!p1 [sflag:s15], $0x2000  }
0x1c: {  	s12 =	smov.u32 s9;
	[sflag:s15] =	ssyncset.done @!p1 $0x0;
	s9 =	smov.u32 s14  }
0x1d: {  	s11 =	sadd.s32 $0x1, s11;
	[sflag:s15] =	ssyncadd.s32 @!p1 $0xFFFFE000;
	s10 =	smov.u32 s16  }
.LBB1_1:
0x1e: {  	p1 =	sge.u32 s11, s5  }
0x1f: {  	s14 =	sand.u32 @!p1 $0x1FFFFFF, s9  }
0x20: {  	s15 =	smulhi.u32 @!p1 $0x147AE15, s14;
	_ =	sdelay $0x1  }
0x21: {  	s15 =	smul.u32 @!p1 $0xC8, s15  }
0x22: {  	s16 =	sxor.u32 @!p1 $0xFFFFFFFF, s11;
	s17 =	smul.u32 @!p1 $0xC80, s10  }
0x23: {  	s31 =	sadd.s32 $0xFFFFFFFF, s11;
	s16 =	sshll.u32 @!p1 s16, $0xD;
	s14 =	ssub.s32 @!p1 s14, s15  }
0x24: {  	s15 =	sand.u32 @!p1 $0x2000, s16;
	s16 =	sadd.s32 @!p1 s6, s17;
	s14 =	sshll.u32 @!p1 s14, $0x4  }
0x25: {  	s17 =	simm.s32 @!p1 $0x6400;
	s14 =	sadd.s32 @!p1 s14, s16;
	s16 =	simm.s32 @!p1 $0x40  }
0x26: {  	[tilespmem:s15], [sflag:$0x1] =	stream.strided.gather @!p1 [hbm4b:s14+s16], $0x2000, s17, s16, $0x38;
	[tilespmem:$0x8080] =	vst v63  }
0x27: {  	p1 =	sge.u32 s31, s5  }
.Ltmp2:
0x28: {  	_ = 	snop;
	(pc) =	sbr.rel @p1 .LBB1_5-.Ltmp2, $1  }
0x29: {  	_ =	sdelay $0x3  }
0x2a: {  	s14 =	simm.s32 $0x1  }
0x2b: {  	_ =	swait.ge [sflag:s4], $0x2000;
	s14 =	simm.s32 @!p0 $0x0  }
0x2c: {  	[sflag:s4] =	ssyncset.done $0x0;
	s15 =	sshll.u32 s14, $0xD  }
0x2d: {  	[sflag:s4] =	ssyncadd.s32 $0xFFFFE000;
	s18 =	sor.u32 $0x20, s15  }
0x2e: {  	s14 =	smul.u32 $0x8100, s14;
	v3 =	vld [tilespmem:s18+$0x10]  }
0x2f: {  	s30 =	sand.u32 $0x1, s11;
	v2 =	vld [tilespmem:s18+$0xFFFFFFF0]  }
0x30: {  	s15 =	smul.u32 $0x8100, s30;
	s14 =	sshrl.u32 s14, $0x2;
	v0 =	vld [tilespmem:s18+$0x0]  }
0x31: {  	v1 =	vld [tilespmem:s18+$0xFFFFFFE0];
	s16 =	sor.u32 $0x4000, s14  }
0x32: {  	s31 =	sshrl.u32 s15, $0x2;
	s15 =	sadd.s32 $0x0, s16  }
0x33: {  	s17 =	simm.s32 $0x4;
	s18 =	sadd.s32 $0x40, s18;
	s14 =	sor.u32 $0x4000, s31;
	[tilespmem:s15+$0x1830 ss:$0x81] =	vst.msk $0xffff, v3  }
.LBB1_3:
0x34: {  	v3 =	vld [tilespmem:s18+$0x10];
	p1 =	sne.s32 s17, $0x1FC;
	[tilespmem:s15+$0x810 ss:$0x81] =	vst.msk $0xffff, v2;
	s19 =	smov.u32 s17;
	s17 =	sadd.s32 $0x4, s17  }
.Ltmp3:
0x35: {  	v2 =	vld [tilespmem:s18+$0xFFFFFFF0];
	[tilespmem:s15+$0x1020 ss:$0x81] =	vst.msk $0xffff, v0;
	(pc) =	sbr.rel @p1 .LBB1_3-.Ltmp3, $4  }
0x36: {  	v0 =	vld [tilespmem:s18+$0x0];
	[tilespmem:s15+$0x0 ss:$0x81] =	vst.msk $0xffff, v1  }
0x37: {  	s15 =	sshra.s32 s19, $0x2;
	v1 =	vld [tilespmem:s18+$0xFFFFFFE0]  }
0x38: {  	s15 =	sadd.s32 s15, s16  }
0x39: {  	s18 =	sadd.s32 $0x40, s18;
	[tilespmem:s15+$0x1830 ss:$0x81] =	vst.msk $0xffff, v3  }
.Ltmp4:
0x3a: {  	_ = 	snop;
	(pc) =	sbr.rel .LBB1_4-.Ltmp4, $1  }
0x3b: {  	_ =	sdelay $0x3  }
.LBB1_6:
0x3c: {  	_ =	sfence.sel $0x180000  }
0x3d: {  	s2 =	simm.s32 $0x1;
	[bflag:$0x0] =	sbarrier.arrive $0xFFFF  }
0x3e: {  	s31 =	simm.s32 $0x2;
	[sflag:s2] =	ssyncpa.u1 $0x1  }
0x3f: {  	[sflag:s31] =	ssyncpa.u1 $0x1  }
0x40: {  	p0 =	sne.s32 s0, $0x0;
	_ =	strace $0x9000004A  }
0x41: {  	s0 =	sadd.s32 @!p0 $0x100000, s1;
	[bflag:$0x2] =	sbarrier.arrive $0xFFFF  }
0x42: {  	[sflag:s0] =	ssyncadd.tile.s32 @!p0 $0x1;
	_ =	shalt  }
.Lfunc_end1:
_tile_overlayer_lowered:
.L_overlay_start_2:
0x43: {  	(tag) =	ssettag $0x2  }
0x44: {  	s0 =	rddreg [dreg:$0x0];
	s2 =	stileid.u32  }
0x45: {  	s1 =	rddreg [dreg:$0x1];
	p0 =	sne.s32 s2, $0x0  }
0x46: {  	s3 =	rddreg [dreg:$0x2];
	[bflag:$0x3] =	sbarrier.arrive $0xFFFF;
	s2 =	simm.s32 @!p0 $0x1C01  }
0x47: {  	[timem:s3], [sflag:s2] =	dma.local @!p0 [hbm:s0], s1  }
0x48: {  	s0 =	simm.s32 @!p0 $0x1  }
0x49: {  	_ =	swait.ge @!p0 [sflag:s0], s1  }
0x4a: {  	s1 =	ssub.s32 @!p0 $0x0, s1;
	[sflag:s0] =	ssyncset.done @!p0 $0x0  }
0x4b: {  	[sflag:s0] =	ssyncadd.s32 @!p0 s1  }
0x4c: {  	[bflag:$0x3] =	sbarrier.arrive $0xFFFF  }
0x4d: {  	_ =	shalt  }

</sc_bundles>
